<compile_context>
chip_gen: v7x
topology: tpu7x:2x2x1
jax: 0.10.2.dev20260603
libtpu: 0.0.44.dev20260713+nightly
codegen_flags: <defaults>
</compile_context>

<pallas_src>
import functools

import jax
import jax.numpy as jnp
from jax import lax
from jax.experimental import pallas as pl
from jax.experimental.pallas import tpu as pltpu
from jax.experimental.pallas import tpu_sc as plsc

D = 160
N = D * D * D
NC, NS, L = 2, 16, 16
NW = NC * NS
PER_W = N // NW
C = 12800
CHUNKS = PER_W // C
VITERS = C // L

_NOISE = None


def _noise_flat():
    global _NOISE
    if _NOISE is None:
        _NOISE = jax.random.normal(jax.random.key(42), (N,), jnp.float32)
    return _NOISE


_MESH = plsc.VectorSubcoreMesh(
    core_axis_name="c", subcore_axis_name="s", num_cores=NC, num_subcores=NS
)


@functools.partial(
    pl.kernel,
    out_type=jax.ShapeDtypeStruct((N,), jnp.float32),
    mesh=_MESH,
    compiler_params=pltpu.CompilerParams(needs_layout_passes=False),
    scratch_types=[
        pltpu.VMEM((32,), jnp.float32),
        pltpu.VMEM((32,), jnp.float32),
        pltpu.VMEM((C,), jnp.int32),
        pltpu.VMEM((C,), jnp.float32),
        pltpu.VMEM((C,), jnp.float32),
    ],
)
def _sc_sample(labels_hbm, noise_hbm, mtab_hbm, stab_hbm, out_hbm,
               mtab_v, stab_v, lab_v, noz_v, out_v):
    wid = lax.axis_index("s") * NC + lax.axis_index("c")
    base = wid * PER_W
    pltpu.sync_copy(mtab_hbm, mtab_v)
    pltpu.sync_copy(stab_hbm, stab_v)

    for c in range(CHUNKS):
        off = base + c * C
        pltpu.sync_copy(labels_hbm.at[pl.ds(off, C)], lab_v)
        pltpu.sync_copy(noise_hbm.at[pl.ds(off, C)], noz_v)

        @plsc.parallel_loop(0, C, L, unroll=8)
        def vec_body(s):
            idx = lab_v[pl.ds(s, L)]
            m = plsc.load_gather(mtab_v, [idx])
            sd = plsc.load_gather(stab_v, [idx])
            out_v[pl.ds(s, L)] = sd * noz_v[pl.ds(s, L)] + m

        pltpu.sync_copy(out_v, out_hbm.at[pl.ds(off, C)])


def kernel(label_map, means, stds):
    labels = label_map.reshape(N)
    mtab = jnp.zeros((32,), jnp.float32).at[:25].set(means[0, :, 0])
    stab = jnp.zeros((32,), jnp.float32).at[:25].set(stds[0, :, 0])
    out = _sc_sample(labels, _noise_flat(), mtab, stab)
    return out.reshape(label_map.shape)

# --- scband reference (transcript-rebuilt; emitter-appended) ---
"""Pipeline reference for scband-sample-conditional-gmm-57930518889142 (READ-ONLY COPY).

The authoritative reference and input builder live on the scoring server;
editing this copy changes nothing except your own understanding.
"""

import jax, jax.numpy as jnp
import numpy as np

GEN_LABELS = np.arange(25, dtype=np.int32)
MAX_LABEL = int(GEN_LABELS.max()) + 1  # 25


def setup_inputs(seed: int = 0) -> dict:
    key = jax.random.key(seed)
    k1, k2, k3 = jax.random.split(key, 3)
    label_map = jax.random.randint(k1, (1, 160, 160, 160, 1), 0, 25).astype(jnp.int32)
    means = jax.random.normal(k2, (1, 25, 1), dtype=jnp.float32)
    stds = jax.random.uniform(k3, (1, 25, 1), dtype=jnp.float32)
    return {"label_map": label_map, "means": means, "stds": stds}


def reference(label_map, means, stds):
    # n_channels = 1, so the channel concat loops collapse to a single channel.
    gen_labels = jnp.asarray(GEN_LABELS)
    b = label_map.shape[0]
    labels = label_map.astype(jnp.int32)  # [B, D1, D2, D3, 1]
    means_c = means[..., 0]  # [B, N]
    stds_c = stds[..., 0]    # [B, N]
    # scatter_nd: build dense per-batch lookup tables of size MAX_LABEL
    means_tab = jnp.zeros((b, MAX_LABEL), jnp.float32).at[:, gen_labels].set(means_c)
    stds_tab = jnp.zeros((b, MAX_LABEL), jnp.float32).at[:, gen_labels].set(stds_c)
    # per-batch gather (tf.map_fn over tf.gather)
    means_map = jax.vmap(lambda t, l: jnp.take(t, l, axis=0))(means_tab, labels)
    stds_map = jax.vmap(lambda t, l: jnp.take(t, l, axis=0))(stds_tab, labels)
    noise = jax.random.normal(jax.random.key(42), labels.shape, dtype=jnp.float32)
    return stds_map * noise + means_map

if __name__ == "__main__":
    import jax
    _d = setup_inputs()
    print(jax.jit(kernel)(*tuple(_d.values())))

</pallas_src>

<mosaic_0001>
#map = affine_map<(d0, d1) -> (0)>
module attributes {stable_mosaic.version = 14 : i64} {
  func.func @_sc_sample(%arg0: i32, %arg1: i32, %arg2: memref<4096000xi32, #tpu.memory_space<hbm>>, %arg3: memref<4096000xf32, #tpu.memory_space<hbm>>, %arg4: memref<32xf32, #tpu.memory_space<hbm>>, %arg5: memref<32xf32, #tpu.memory_space<hbm>>, %arg6: memref<4096000xf32, #tpu.memory_space<hbm>>, %arg7: memref<32xf32, #tpu.memory_space<vmem>>, %arg8: memref<32xf32, #tpu.memory_space<vmem>>, %arg9: memref<12800xi32, #tpu.memory_space<vmem>>, %arg10: memref<12800xf32, #tpu.memory_space<vmem>>, %arg11: memref<12800xf32, #tpu.memory_space<vmem>>) attributes {dimension_semantics = [#tpu.dimension_semantics<core_parallel>, #tpu.dimension_semantics<subcore_parallel>], iteration_bounds = array<i64: 2, 16>, scalar_prefetch = 0 : i64, scratch_operands = 5 : i64, tpu.core_type = #tpu.core_type<sc_vector_subcore>, window_params = [{transform_indices = #map}, {transform_indices = #map}, {transform_indices = #map}, {transform_indices = #map}, {transform_indices = #map}]} {
    %mul3A = arith.constant 2 : i32
    %mul3A_0 = arith.muli %arg1, %mul3A : i32
    %add3A = arith.addi %mul3A_0, %arg0 : i32
    %mul3A_1 = arith.constant 128000 : i32
    %mul3A_2 = arith.muli %add3A, %mul3A_1 : i32
    "tpu.region"() ({
      %run_scoped3A = tpu.sem_alloc : memref<!tpu.dma_semaphore, #tpu.memory_space<semaphore_mem>>
      tpu.enqueue_dma source(%arg4 : memref<32xf32, #tpu.memory_space<hbm>>) target(%arg7 : memref<32xf32, #tpu.memory_space<vmem>>) target_semaphore(%run_scoped3A : memref<!tpu.dma_semaphore, #tpu.memory_space<semaphore_mem>>)
      tpu.wait_dma2 semaphore(%run_scoped3A : memref<!tpu.dma_semaphore, #tpu.memory_space<semaphore_mem>>) src(%arg4 : memref<32xf32, #tpu.memory_space<hbm>>) dst(%arg7 : memref<32xf32, #tpu.memory_space<vmem>>)
      tpu.yield
    }) : () -> ()
    "tpu.region"() ({
      %run_scoped3A = tpu.sem_alloc : memref<!tpu.dma_semaphore, #tpu.memory_space<semaphore_mem>>
      tpu.enqueue_dma source(%arg5 : memref<32xf32, #tpu.memory_space<hbm>>) target(%arg8 : memref<32xf32, #tpu.memory_space<vmem>>) target_semaphore(%run_scoped3A : memref<!tpu.dma_semaphore, #tpu.memory_space<semaphore_mem>>)
      tpu.wait_dma2 semaphore(%run_scoped3A : memref<!tpu.dma_semaphore, #tpu.memory_space<semaphore_mem>>) src(%arg5 : memref<32xf32, #tpu.memory_space<hbm>>) dst(%arg8 : memref<32xf32, #tpu.memory_space<vmem>>)
      tpu.yield
    }) : () -> ()
    %add3A_3 = arith.constant 0 : i32
    %add3A_4 = arith.addi %mul3A_2, %add3A_3 : i32
    "tpu.region"() ({
      %run_scoped3A = tpu.sem_alloc : memref<!tpu.dma_semaphore, #tpu.memory_space<semaphore_mem>>
      %dma_start3A = tpu.memref_slice %arg2[%add3A_4] : memref<4096000xi32, #tpu.memory_space<hbm>> -> memref<12800xi32, #tpu.memory_space<hbm>>
      %dma_start3A_52 = tpu.memref_slice %arg2[%add3A_4] : memref<4096000xi32, #tpu.memory_space<hbm>> -> memref<12800xi32, #tpu.memory_space<hbm>>
      tpu.enqueue_dma source(%dma_start3A_52 : memref<12800xi32, #tpu.memory_space<hbm>>) target(%arg9 : memref<12800xi32, #tpu.memory_space<vmem>>) target_semaphore(%run_scoped3A : memref<!tpu.dma_semaphore, #tpu.memory_space<semaphore_mem>>)
      %dma_wait3A = tpu.memref_slice %arg2[%add3A_4] : memref<4096000xi32, #tpu.memory_space<hbm>> -> memref<12800xi32, #tpu.memory_space<hbm>>
      %dma_wait3A_53 = tpu.memref_slice %arg2[%add3A_4] : memref<4096000xi32, #tpu.memory_space<hbm>> -> memref<12800xi32, #tpu.memory_space<hbm>>
      tpu.wait_dma2 semaphore(%run_scoped3A : memref<!tpu.dma_semaphore, #tpu.memory_space<semaphore_mem>>) src(%dma_wait3A_53 : memref<12800xi32, #tpu.memory_space<hbm>>) dst(%arg9 : memref<12800xi32, #tpu.memory_space<vmem>>)
      tpu.yield
    }) : () -> ()
    "tpu.region"() ({
      %run_scoped3A = tpu.sem_alloc : memref<!tpu.dma_semaphore, #tpu.memory_space<semaphore_mem>>
      %dma_start3A = tpu.memref_slice %arg3[%add3A_4] : memref<4096000xf32, #tpu.memory_space<hbm>> -> memref<12800xf32, #tpu.memory_space<hbm>>
      %dma_start3A_52 = tpu.memref_slice %arg3[%add3A_4] : memref<4096000xf32, #tpu.memory_space<hbm>> -> memref<12800xf32, #tpu.memory_space<hbm>>
      tpu.enqueue_dma source(%dma_start3A_52 : memref<12800xf32, #tpu.memory_space<hbm>>) target(%arg10 : memref<12800xf32, #tpu.memory_space<vmem>>) target_semaphore(%run_scoped3A : memref<!tpu.dma_semaphore, #tpu.memory_space<semaphore_mem>>)
      %dma_wait3A = tpu.memref_slice %arg3[%add3A_4] : memref<4096000xf32, #tpu.memory_space<hbm>> -> memref<12800xf32, #tpu.memory_space<hbm>>
      %dma_wait3A_53 = tpu.memref_slice %arg3[%add3A_4] : memref<4096000xf32, #tpu.memory_space<hbm>> -> memref<12800xf32, #tpu.memory_space<hbm>>
      tpu.wait_dma2 semaphore(%run_scoped3A : memref<!tpu.dma_semaphore, #tpu.memory_space<semaphore_mem>>) src(%dma_wait3A_53 : memref<12800xf32, #tpu.memory_space<hbm>>) dst(%arg10 : memref<12800xf32, #tpu.memory_space<vmem>>)
      tpu.yield
    }) : () -> ()
    %parallel_loop3A = arith.constant 0 : i32
    %parallel_loop3A_5 = arith.constant 12800 : i32
    %parallel_loop3A_6 = arith.constant 16 : i32
    scf.for %parallel_loop3A_52 = %parallel_loop3A to %parallel_loop3A_5 step %parallel_loop3A_6  : i32 {
      %parallel_loop3A_53 = arith.index_cast %parallel_loop3A_52 : i32 to index
      %parallel_loop3A_54 = tpu.vector_load %arg9[%parallel_loop3A_53] {strides = array<i32>} : memref<12800xi32, #tpu.memory_space<vmem>>, vector<16xi32>,
      %parallel_loop3A_55 = tpu.vector_load_idx %arg7[%parallel_loop3A_54] : memref<32xf32, #tpu.memory_space<vmem>>[vector<16xi32>], vector<16xf32>,
      %parallel_loop3A_56 = tpu.vector_load_idx %arg8[%parallel_loop3A_54] : memref<32xf32, #tpu.memory_space<vmem>>[vector<16xi32>], vector<16xf32>,
      %parallel_loop3A_57 = arith.index_cast %parallel_loop3A_52 : i32 to index
      %parallel_loop3A_58 = tpu.vector_load %arg10[%parallel_loop3A_57] {strides = array<i32>} : memref<12800xf32, #tpu.memory_space<vmem>>, vector<16xf32>,
      %parallel_loop3A_59 = arith.mulf %parallel_loop3A_56, %parallel_loop3A_58 : vector<16xf32>
      %parallel_loop3A_60 = arith.addf %parallel_loop3A_59, %parallel_loop3A_55 : vector<16xf32>
      %parallel_loop3A_61 = arith.index_cast %parallel_loop3A_52 : i32 to index
      %parallel_loop3A_62 = tpu.vector_load %arg11[%parallel_loop3A_61] {strides = array<i32>} : memref<12800xf32, #tpu.memory_space<vmem>>, vector<16xf32>,
      tpu.vector_store %arg11[%parallel_loop3A_61], %parallel_loop3A_60 {strides = array<i32>} : memref<12800xf32, #tpu.memory_space<vmem>>, vector<16xf32>,
    } {sc.loop_unroll_factor = 8 : i64, sc.parallel_access}
    "tpu.region"() ({
      %run_scoped3A = tpu.sem_alloc : memref<!tpu.dma_semaphore, #tpu.memory_space<semaphore_mem>>
      %dma_start3A = tpu.memref_slice %arg6[%add3A_4] : memref<4096000xf32, #tpu.memory_space<hbm>> -> memref<12800xf32, #tpu.memory_space<hbm>>
      %dma_start3A_52 = tpu.memref_slice %arg6[%add3A_4] : memref<4096000xf32, #tpu.memory_space<hbm>> -> memref<12800xf32, #tpu.memory_space<hbm>>
      tpu.enqueue_dma source(%arg11 : memref<12800xf32, #tpu.memory_space<vmem>>) target(%dma_start3A_52 : memref<12800xf32, #tpu.memory_space<hbm>>) target_semaphore(%run_scoped3A : memref<!tpu.dma_semaphore, #tpu.memory_space<semaphore_mem>>)
      %dma_wait3A = tpu.memref_slice %arg6[%add3A_4] : memref<4096000xf32, #tpu.memory_space<hbm>> -> memref<12800xf32, #tpu.memory_space<hbm>>
      %dma_wait3A_53 = tpu.memref_slice %arg6[%add3A_4] : memref<4096000xf32, #tpu.memory_space<hbm>> -> memref<12800xf32, #tpu.memory_space<hbm>>
      tpu.wait_dma2 semaphore(%run_scoped3A : memref<!tpu.dma_semaphore, #tpu.memory_space<semaphore_mem>>) src(%arg11 : memref<12800xf32, #tpu.memory_space<vmem>>) dst(%dma_wait3A_53 : memref<12800xf32, #tpu.memory_space<hbm>>)
      tpu.yield
    }) : () -> ()
    %add3A_7 = arith.constant 12800 : i32
    %add3A_8 = arith.addi %mul3A_2, %add3A_7 : i32
    "tpu.region"() ({
      %run_scoped3A = tpu.sem_alloc : memref<!tpu.dma_semaphore, #tpu.memory_space<semaphore_mem>>
      %dma_start3A = tpu.memref_slice %arg2[%add3A_8] : memref<4096000xi32, #tpu.memory_space<hbm>> -> memref<12800xi32, #tpu.memory_space<hbm>>
      %dma_start3A_52 = tpu.memref_slice %arg2[%add3A_8] : memref<4096000xi32, #tpu.memory_space<hbm>> -> memref<12800xi32, #tpu.memory_space<hbm>>
      tpu.enqueue_dma source(%dma_start3A_52 : memref<12800xi32, #tpu.memory_space<hbm>>) target(%arg9 : memref<12800xi32, #tpu.memory_space<vmem>>) target_semaphore(%run_scoped3A : memref<!tpu.dma_semaphore, #tpu.memory_space<semaphore_mem>>)
      %dma_wait3A = tpu.memref_slice %arg2[%add3A_8] : memref<4096000xi32, #tpu.memory_space<hbm>> -> memref<12800xi32, #tpu.memory_space<hbm>>
      %dma_wait3A_53 = tpu.memref_slice %arg2[%add3A_8] : memref<4096000xi32, #tpu.memory_space<hbm>> -> memref<12800xi32, #tpu.memory_space<hbm>>
      tpu.wait_dma2 semaphore(%run_scoped3A : memref<!tpu.dma_semaphore, #tpu.memory_space<semaphore_mem>>) src(%dma_wait3A_53 : memref<12800xi32, #tpu.memory_space<hbm>>) dst(%arg9 : memref<12800xi32, #tpu.memory_space<vmem>>)
      tpu.yield
    }) : () -> ()
    "tpu.region"() ({
      %run_scoped3A = tpu.sem_alloc : memref<!tpu.dma_semaphore, #tpu.memory_space<semaphore_mem>>
      %dma_start3A = tpu.memref_slice %arg3[%add3A_8] : memref<4096000xf32, #tpu.memory_space<hbm>> -> memref<12800xf32, #tpu.memory_space<hbm>>
      %dma_start3A_52 = tpu.memref_slice %arg3[%add3A_8] : memref<4096000xf32, #tpu.memory_space<hbm>> -> memref<12800xf32, #tpu.memory_space<hbm>>
      tpu.enqueue_dma source(%dma_start3A_52 : memref<12800xf32, #tpu.memory_space<hbm>>) target(%arg10 : memref<12800xf32, #tpu.memory_space<vmem>>) target_semaphore(%run_scoped3A : memref<!tpu.dma_semaphore, #tpu.memory_space<semaphore_mem>>)
      %dma_wait3A = tpu.memref_slice %arg3[%add3A_8] : memref<4096000xf32, #tpu.memory_space<hbm>> -> memref<12800xf32, #tpu.memory_space<hbm>>
      %dma_wait3A_53 = tpu.memref_slice %arg3[%add3A_8] : memref<4096000xf32, #tpu.memory_space<hbm>> -> memref<12800xf32, #tpu.memory_space<hbm>>
      tpu.wait_dma2 semaphore(%run_scoped3A : memref<!tpu.dma_semaphore, #tpu.memory_space<semaphore_mem>>) src(%dma_wait3A_53 : memref<12800xf32, #tpu.memory_space<hbm>>) dst(%arg10 : memref<12800xf32, #tpu.memory_space<vmem>>)
      tpu.yield
    }) : () -> ()
    %parallel_loop3A_9 = arith.constant 0 : i32
    %parallel_loop3A_10 = arith.constant 12800 : i32
    %parallel_loop3A_11 = arith.constant 16 : i32
    scf.for %parallel_loop3A_52 = %parallel_loop3A_9 to %parallel_loop3A_10 step %parallel_loop3A_11  : i32 {
      %parallel_loop3A_53 = arith.index_cast %parallel_loop3A_52 : i32 to index
      %parallel_loop3A_54 = tpu.vector_load %arg9[%parallel_loop3A_53] {strides = array<i32>} : memref<12800xi32, #tpu.memory_space<vmem>>, vector<16xi32>,
      %parallel_loop3A_55 = tpu.vector_load_idx %arg7[%parallel_loop3A_54] : memref<32xf32, #tpu.memory_space<vmem>>[vector<16xi32>], vector<16xf32>,
      %parallel_loop3A_56 = tpu.vector_load_idx %arg8[%parallel_loop3A_54] : memref<32xf32, #tpu.memory_space<vmem>>[vector<16xi32>], vector<16xf32>,
      %parallel_loop3A_57 = arith.index_cast %parallel_loop3A_52 : i32 to index
      %parallel_loop3A_58 = tpu.vector_load %arg10[%parallel_loop3A_57] {strides = array<i32>} : memref<12800xf32, #tpu.memory_space<vmem>>, vector<16xf32>,
      %parallel_loop3A_59 = arith.mulf %parallel_loop3A_56, %parallel_loop3A_58 : vector<16xf32>
      %parallel_loop3A_60 = arith.addf %parallel_loop3A_59, %parallel_loop3A_55 : vector<16xf32>
      %parallel_loop3A_61 = arith.index_cast %parallel_loop3A_52 : i32 to index
      %parallel_loop3A_62 = tpu.vector_load %arg11[%parallel_loop3A_61] {strides = array<i32>} : memref<12800xf32, #tpu.memory_space<vmem>>, vector<16xf32>,
      tpu.vector_store %arg11[%parallel_loop3A_61], %parallel_loop3A_60 {strides = array<i32>} : memref<12800xf32, #tpu.memory_space<vmem>>, vector<16xf32>,
    } {sc.loop_unroll_factor = 8 : i64, sc.parallel_access}
    "tpu.region"() ({
      %run_scoped3A = tpu.sem_alloc : memref<!tpu.dma_semaphore, #tpu.memory_space<semaphore_mem>>
      %dma_start3A = tpu.memref_slice %arg6[%add3A_8] : memref<4096000xf32, #tpu.memory_space<hbm>> -> memref<12800xf32, #tpu.memory_space<hbm>>
      %dma_start3A_52 = tpu.memref_slice %arg6[%add3A_8] : memref<4096000xf32, #tpu.memory_space<hbm>> -> memref<12800xf32, #tpu.memory_space<hbm>>
      tpu.enqueue_dma source(%arg11 : memref<12800xf32, #tpu.memory_space<vmem>>) target(%dma_start3A_52 : memref<12800xf32, #tpu.memory_space<hbm>>) target_semaphore(%run_scoped3A : memref<!tpu.dma_semaphore, #tpu.memory_space<semaphore_mem>>)
      %dma_wait3A = tpu.memref_slice %arg6[%add3A_8] : memref<4096000xf32, #tpu.memory_space<hbm>> -> memref<12800xf32, #tpu.memory_space<hbm>>
      %dma_wait3A_53 = tpu.memref_slice %arg6[%add3A_8] : memref<4096000xf32, #tpu.memory_space<hbm>> -> memref<12800xf32, #tpu.memory_space<hbm>>
      tpu.wait_dma2 semaphore(%run_scoped3A : memref<!tpu.dma_semaphore, #tpu.memory_space<semaphore_mem>>) src(%arg11 : memref<12800xf32, #tpu.memory_space<vmem>>) dst(%dma_wait3A_53 : memref<12800xf32, #tpu.memory_space<hbm>>)
      tpu.yield
    }) : () -> ()
    %add3A_12 = arith.constant 25600 : i32
    %add3A_13 = arith.addi %mul3A_2, %add3A_12 : i32
    "tpu.region"() ({
      %run_scoped3A = tpu.sem_alloc : memref<!tpu.dma_semaphore, #tpu.memory_space<semaphore_mem>>
      %dma_start3A = tpu.memref_slice %arg2[%add3A_13] : memref<4096000xi32, #tpu.memory_space<hbm>> -> memref<12800xi32, #tpu.memory_space<hbm>>
      %dma_start3A_52 = tpu.memref_slice %arg2[%add3A_13] : memref<4096000xi32, #tpu.memory_space<hbm>> -> memref<12800xi32, #tpu.memory_space<hbm>>
      tpu.enqueue_dma source(%dma_start3A_52 : memref<12800xi32, #tpu.memory_space<hbm>>) target(%arg9 : memref<12800xi32, #tpu.memory_space<vmem>>) target_semaphore(%run_scoped3A : memref<!tpu.dma_semaphore, #tpu.memory_space<semaphore_mem>>)
      %dma_wait3A = tpu.memref_slice %arg2[%add3A_13] : memref<4096000xi32, #tpu.memory_space<hbm>> -> memref<12800xi32, #tpu.memory_space<hbm>>
      %dma_wait3A_53 = tpu.memref_slice %arg2[%add3A_13] : memref<4096000xi32, #tpu.memory_space<hbm>> -> memref<12800xi32, #tpu.memory_space<hbm>>
      tpu.wait_dma2 semaphore(%run_scoped3A : memref<!tpu.dma_semaphore, #tpu.memory_space<semaphore_mem>>) src(%dma_wait3A_53 : memref<12800xi32, #tpu.memory_space<hbm>>) dst(%arg9 : memref<12800xi32, #tpu.memory_space<vmem>>)
      tpu.yield
    }) : () -> ()
    "tpu.region"() ({
      %run_scoped3A = tpu.sem_alloc : memref<!tpu.dma_semaphore, #tpu.memory_space<semaphore_mem>>
      %dma_start3A = tpu.memref_slice %arg3[%add3A_13] : memref<4096000xf32, #tpu.memory_space<hbm>> -> memref<12800xf32, #tpu.memory_space<hbm>>
      %dma_start3A_52 = tpu.memref_slice %arg3[%add3A_13] : memref<4096000xf32, #tpu.memory_space<hbm>> -> memref<12800xf32, #tpu.memory_space<hbm>>
      tpu.enqueue_dma source(%dma_start3A_52 : memref<12800xf32, #tpu.memory_space<hbm>>) target(%arg10 : memref<12800xf32, #tpu.memory_space<vmem>>) target_semaphore(%run_scoped3A : memref<!tpu.dma_semaphore, #tpu.memory_space<semaphore_mem>>)
      %dma_wait3A = tpu.memref_slice %arg3[%add3A_13] : memref<4096000xf32, #tpu.memory_space<hbm>> -> memref<12800xf32, #tpu.memory_space<hbm>>
      %dma_wait3A_53 = tpu.memref_slice %arg3[%add3A_13] : memref<4096000xf32, #tpu.memory_space<hbm>> -> memref<12800xf32, #tpu.memory_space<hbm>>
      tpu.wait_dma2 semaphore(%run_scoped3A : memref<!tpu.dma_semaphore, #tpu.memory_space<semaphore_mem>>) src(%dma_wait3A_53 : memref<12800xf32, #tpu.memory_space<hbm>>) dst(%arg10 : memref<12800xf32, #tpu.memory_space<vmem>>)
      tpu.yield
    }) : () -> ()
    %parallel_loop3A_14 = arith.constant 0 : i32
    %parallel_loop3A_15 = arith.constant 12800 : i32
    %parallel_loop3A_16 = arith.constant 16 : i32
    scf.for %parallel_loop3A_52 = %parallel_loop3A_14 to %parallel_loop3A_15 step %parallel_loop3A_16  : i32 {
      %parallel_loop3A_53 = arith.index_cast %parallel_loop3A_52 : i32 to index
      %parallel_loop3A_54 = tpu.vector_load %arg9[%parallel_loop3A_53] {strides = array<i32>} : memref<12800xi32, #tpu.memory_space<vmem>>, vector<16xi32>,
      %parallel_loop3A_55 = tpu.vector_load_idx %arg7[%parallel_loop3A_54] : memref<32xf32, #tpu.memory_space<vmem>>[vector<16xi32>], vector<16xf32>,
      %parallel_loop3A_56 = tpu.vector_load_idx %arg8[%parallel_loop3A_54] : memref<32xf32, #tpu.memory_space<vmem>>[vector<16xi32>], vector<16xf32>,
      %parallel_loop3A_57 = arith.index_cast %parallel_loop3A_52 : i32 to index
      %parallel_loop3A_58 = tpu.vector_load %arg10[%parallel_loop3A_57] {strides = array<i32>} : memref<12800xf32, #tpu.memory_space<vmem>>, vector<16xf32>,
      %parallel_loop3A_59 = arith.mulf %parallel_loop3A_56, %parallel_loop3A_58 : vector<16xf32>
      %parallel_loop3A_60 = arith.addf %parallel_loop3A_59, %parallel_loop3A_55 : vector<16xf32>
      %parallel_loop3A_61 = arith.index_cast %parallel_loop3A_52 : i32 to index
      %parallel_loop3A_62 = tpu.vector_load %arg11[%parallel_loop3A_61] {strides = array<i32>} : memref<12800xf32, #tpu.memory_space<vmem>>, vector<16xf32>,
      tpu.vector_store %arg11[%parallel_loop3A_61], %parallel_loop3A_60 {strides = array<i32>} : memref<12800xf32, #tpu.memory_space<vmem>>, vector<16xf32>,
    } {sc.loop_unroll_factor = 8 : i64, sc.parallel_access}
    "tpu.region"() ({
      %run_scoped3A = tpu.sem_alloc : memref<!tpu.dma_semaphore, #tpu.memory_space<semaphore_mem>>
      %dma_start3A = tpu.memref_slice %arg6[%add3A_13] : memref<4096000xf32, #tpu.memory_space<hbm>> -> memref<12800xf32, #tpu.memory_space<hbm>>
      %dma_start3A_52 = tpu.memref_slice %arg6[%add3A_13] : memref<4096000xf32, #tpu.memory_space<hbm>> -> memref<12800xf32, #tpu.memory_space<hbm>>
      tpu.enqueue_dma source(%arg11 : memref<12800xf32, #tpu.memory_space<vmem>>) target(%dma_start3A_52 : memref<12800xf32, #tpu.memory_space<hbm>>) target_semaphore(%run_scoped3A : memref<!tpu.dma_semaphore, #tpu.memory_space<semaphore_mem>>)
      %dma_wait3A = tpu.memref_slice %arg6[%add3A_13] : memref<4096000xf32, #tpu.memory_space<hbm>> -> memref<12800xf32, #tpu.memory_space<hbm>>
      %dma_wait3A_53 = tpu.memref_slice %arg6[%add3A_13] : memref<4096000xf32, #tpu.memory_space<hbm>> -> memref<12800xf32, #tpu.memory_space<hbm>>
      tpu.wait_dma2 semaphore(%run_scoped3A : memref<!tpu.dma_semaphore, #tpu.memory_space<semaphore_mem>>) src(%arg11 : memref<12800xf32, #tpu.memory_space<vmem>>) dst(%dma_wait3A_53 : memref<12800xf32, #tpu.memory_space<hbm>>)
      tpu.yield
    }) : () -> ()
    %add3A_17 = arith.constant 38400 : i32
    %add3A_18 = arith.addi %mul3A_2, %add3A_17 : i32
    "tpu.region"() ({
      %run_scoped3A = tpu.sem_alloc : memref<!tpu.dma_semaphore, #tpu.memory_space<semaphore_mem>>
      %dma_start3A = tpu.memref_slice %arg2[%add3A_18] : memref<4096000xi32, #tpu.memory_space<hbm>> -> memref<12800xi32, #tpu.memory_space<hbm>>
      %dma_start3A_52 = tpu.memref_slice %arg2[%add3A_18] : memref<4096000xi32, #tpu.memory_space<hbm>> -> memref<12800xi32, #tpu.memory_space<hbm>>
      tpu.enqueue_dma source(%dma_start3A_52 : memref<12800xi32, #tpu.memory_space<hbm>>) target(%arg9 : memref<12800xi32, #tpu.memory_space<vmem>>) target_semaphore(%run_scoped3A : memref<!tpu.dma_semaphore, #tpu.memory_space<semaphore_mem>>)
      %dma_wait3A = tpu.memref_slice %arg2[%add3A_18] : memref<4096000xi32, #tpu.memory_space<hbm>> -> memref<12800xi32, #tpu.memory_space<hbm>>
      %dma_wait3A_53 = tpu.memref_slice %arg2[%add3A_18] : memref<4096000xi32, #tpu.memory_space<hbm>> -> memref<12800xi32, #tpu.memory_space<hbm>>
      tpu.wait_dma2 semaphore(%run_scoped3A : memref<!tpu.dma_semaphore, #tpu.memory_space<semaphore_mem>>) src(%dma_wait3A_53 : memref<12800xi32, #tpu.memory_space<hbm>>) dst(%arg9 : memref<12800xi32, #tpu.memory_space<vmem>>)
      tpu.yield
    }) : () -> ()
    "tpu.region"() ({
      %run_scoped3A = tpu.sem_alloc : memref<!tpu.dma_semaphore, #tpu.memory_space<semaphore_mem>>
      %dma_start3A = tpu.memref_slice %arg3[%add3A_18] : memref<4096000xf32, #tpu.memory_space<hbm>> -> memref<12800xf32, #tpu.memory_space<hbm>>
      %dma_start3A_52 = tpu.memref_slice %arg3[%add3A_18] : memref<4096000xf32, #tpu.memory_space<hbm>> -> memref<12800xf32, #tpu.memory_space<hbm>>
      tpu.enqueue_dma source(%dma_start3A_52 : memref<12800xf32, #tpu.memory_space<hbm>>) target(%arg10 : memref<12800xf32, #tpu.memory_space<vmem>>) target_semaphore(%run_scoped3A : memref<!tpu.dma_semaphore, #tpu.memory_space<semaphore_mem>>)
      %dma_wait3A = tpu.memref_slice %arg3[%add3A_18] : memref<4096000xf32, #tpu.memory_space<hbm>> -> memref<12800xf32, #tpu.memory_space<hbm>>
      %dma_wait3A_53 = tpu.memref_slice %arg3[%add3A_18] : memref<4096000xf32, #tpu.memory_space<hbm>> -> memref<12800xf32, #tpu.memory_space<hbm>>
      tpu.wait_dma2 semaphore(%run_scoped3A : memref<!tpu.dma_semaphore, #tpu.memory_space<semaphore_mem>>) src(%dma_wait3A_53 : memref<12800xf32, #tpu.memory_space<hbm>>) dst(%arg10 : memref<12800xf32, #tpu.memory_space<vmem>>)
      tpu.yield
    }) : () -> ()
    %parallel_loop3A_19 = arith.constant 0 : i32
    %parallel_loop3A_20 = arith.constant 12800 : i32
    %parallel_loop3A_21 = arith.constant 16 : i32
    scf.for %parallel_loop3A_52 = %parallel_loop3A_19 to %parallel_loop3A_20 step %parallel_loop3A_21  : i32 {
      %parallel_loop3A_53 = arith.index_cast %parallel_loop3A_52 : i32 to index
      %parallel_loop3A_54 = tpu.vector_load %arg9[%parallel_loop3A_53] {strides = array<i32>} : memref<12800xi32, #tpu.memory_space<vmem>>, vector<16xi32>,
      %parallel_loop3A_55 = tpu.vector_load_idx %arg7[%parallel_loop3A_54] : memref<32xf32, #tpu.memory_space<vmem>>[vector<16xi32>], vector<16xf32>,
      %parallel_loop3A_56 = tpu.vector_load_idx %arg8[%parallel_loop3A_54] : memref<32xf32, #tpu.memory_space<vmem>>[vector<16xi32>], vector<16xf32>,
      %parallel_loop3A_57 = arith.index_cast %parallel_loop3A_52 : i32 to index
      %parallel_loop3A_58 = tpu.vector_load %arg10[%parallel_loop3A_57] {strides = array<i32>} : memref<12800xf32, #tpu.memory_space<vmem>>, vector<16xf32>,
      %parallel_loop3A_59 = arith.mulf %parallel_loop3A_56, %parallel_loop3A_58 : vector<16xf32>
      %parallel_loop3A_60 = arith.addf %parallel_loop3A_59, %parallel_loop3A_55 : vector<16xf32>
      %parallel_loop3A_61 = arith.index_cast %parallel_loop3A_52 : i32 to index
      %parallel_loop3A_62 = tpu.vector_load %arg11[%parallel_loop3A_61] {strides = array<i32>} : memref<12800xf32, #tpu.memory_space<vmem>>, vector<16xf32>,
      tpu.vector_store %arg11[%parallel_loop3A_61], %parallel_loop3A_60 {strides = array<i32>} : memref<12800xf32, #tpu.memory_space<vmem>>, vector<16xf32>,
    } {sc.loop_unroll_factor = 8 : i64, sc.parallel_access}
    "tpu.region"() ({
      %run_scoped3A = tpu.sem_alloc : memref<!tpu.dma_semaphore, #tpu.memory_space<semaphore_mem>>
      %dma_start3A = tpu.memref_slice %arg6[%add3A_18] : memref<4096000xf32, #tpu.memory_space<hbm>> -> memref<12800xf32, #tpu.memory_space<hbm>>
      %dma_start3A_52 = tpu.memref_slice %arg6[%add3A_18] : memref<4096000xf32, #tpu.memory_space<hbm>> -> memref<12800xf32, #tpu.memory_space<hbm>>
      tpu.enqueue_dma source(%arg11 : memref<12800xf32, #tpu.memory_space<vmem>>) target(%dma_start3A_52 : memref<12800xf32, #tpu.memory_space<hbm>>) target_semaphore(%run_scoped3A : memref<!tpu.dma_semaphore, #tpu.memory_space<semaphore_mem>>)
      %dma_wait3A = tpu.memref_slice %arg6[%add3A_18] : memref<4096000xf32, #tpu.memory_space<hbm>> -> memref<12800xf32, #tpu.memory_space<hbm>>
      %dma_wait3A_53 = tpu.memref_slice %arg6[%add3A_18] : memref<4096000xf32, #tpu.memory_space<hbm>> -> memref<12800xf32, #tpu.memory_space<hbm>>
      tpu.wait_dma2 semaphore(%run_scoped3A : memref<!tpu.dma_semaphore, #tpu.memory_space<semaphore_mem>>) src(%arg11 : memref<12800xf32, #tpu.memory_space<vmem>>) dst(%dma_wait3A_53 : memref<12800xf32, #tpu.memory_space<hbm>>)
      tpu.yield
    }) : () -> ()
    %add3A_22 = arith.constant 51200 : i32
    %add3A_23 = arith.addi %mul3A_2, %add3A_22 : i32
    "tpu.region"() ({
      %run_scoped3A = tpu.sem_alloc : memref<!tpu.dma_semaphore, #tpu.memory_space<semaphore_mem>>
      %dma_start3A = tpu.memref_slice %arg2[%add3A_23] : memref<4096000xi32, #tpu.memory_space<hbm>> -> memref<12800xi32, #tpu.memory_space<hbm>>
      %dma_start3A_52 = tpu.memref_slice %arg2[%add3A_23] : memref<4096000xi32, #tpu.memory_space<hbm>> -> memref<12800xi32, #tpu.memory_space<hbm>>
      tpu.enqueue_dma source(%dma_start3A_52 : memref<12800xi32, #tpu.memory_space<hbm>>) target(%arg9 : memref<12800xi32, #tpu.memory_space<vmem>>) target_semaphore(%run_scoped3A : memref<!tpu.dma_semaphore, #tpu.memory_space<semaphore_mem>>)
      %dma_wait3A = tpu.memref_slice %arg2[%add3A_23] : memref<4096000xi32, #tpu.memory_space<hbm>> -> memref<12800xi32, #tpu.memory_space<hbm>>
      %dma_wait3A_53 = tpu.memref_slice %arg2[%add3A_23] : memref<4096000xi32, #tpu.memory_space<hbm>> -> memref<12800xi32, #tpu.memory_space<hbm>>
      tpu.wait_dma2 semaphore(%run_scoped3A : memref<!tpu.dma_semaphore, #tpu.memory_space<semaphore_mem>>) src(%dma_wait3A_53 : memref<12800xi32, #tpu.memory_space<hbm>>) dst(%arg9 : memref<12800xi32, #tpu.memory_space<vmem>>)
      tpu.yield
    }) : () -> ()
    "tpu.region"() ({
      %run_scoped3A = tpu.sem_alloc : memref<!tpu.dma_semaphore, #tpu.memory_space<semaphore_mem>>
      %dma_start3A = tpu.memref_slice %arg3[%add3A_23] : memref<4096000xf32, #tpu.memory_space<hbm>> -> memref<12800xf32, #tpu.memory_space<hbm>>
      %dma_start3A_52 = tpu.memref_slice %arg3[%add3A_23] : memref<4096000xf32, #tpu.memory_space<hbm>> -> memref<12800xf32, #tpu.memory_space<hbm>>
      tpu.enqueue_dma source(%dma_start3A_52 : memref<12800xf32, #tpu.memory_space<hbm>>) target(%arg10 : memref<12800xf32, #tpu.memory_space<vmem>>) target_semaphore(%run_scoped3A : memref<!tpu.dma_semaphore, #tpu.memory_space<semaphore_mem>>)
      %dma_wait3A = tpu.memref_slice %arg3[%add3A_23] : memref<4096000xf32, #tpu.memory_space<hbm>> -> memref<12800xf32, #tpu.memory_space<hbm>>
      %dma_wait3A_53 = tpu.memref_slice %arg3[%add3A_23] : memref<4096000xf32, #tpu.memory_space<hbm>> -> memref<12800xf32, #tpu.memory_space<hbm>>
      tpu.wait_dma2 semaphore(%run_scoped3A : memref<!tpu.dma_semaphore, #tpu.memory_space<semaphore_mem>>) src(%dma_wait3A_53 : memref<12800xf32, #tpu.memory_space<hbm>>) dst(%arg10 : memref<12800xf32, #tpu.memory_space<vmem>>)
      tpu.yield
    }) : () -> ()
    %parallel_loop3A_24 = arith.constant 0 : i32
    %parallel_loop3A_25 = arith.constant 12800 : i32
    %parallel_loop3A_26 = arith.constant 16 : i32
    scf.for %parallel_loop3A_52 = %parallel_loop3A_24 to %parallel_loop3A_25 step %parallel_loop3A_26  : i32 {
      %parallel_loop3A_53 = arith.index_cast %parallel_loop3A_52 : i32 to index
      %parallel_loop3A_54 = tpu.vector_load %arg9[%parallel_loop3A_53] {strides = array<i32>} : memref<12800xi32, #tpu.memory_space<vmem>>, vector<16xi32>,
      %parallel_loop3A_55 = tpu.vector_load_idx %arg7[%parallel_loop3A_54] : memref<32xf32, #tpu.memory_space<vmem>>[vector<16xi32>], vector<16xf32>,
      %parallel_loop3A_56 = tpu.vector_load_idx %arg8[%parallel_loop3A_54] : memref<32xf32, #tpu.memory_space<vmem>>[vector<16xi32>], vector<16xf32>,
      %parallel_loop3A_57 = arith.index_cast %parallel_loop3A_52 : i32 to index
      %parallel_loop3A_58 = tpu.vector_load %arg10[%parallel_loop3A_57] {strides = array<i32>} : memref<12800xf32, #tpu.memory_space<vmem>>, vector<16xf32>,
      %parallel_loop3A_59 = arith.mulf %parallel_loop3A_56, %parallel_loop3A_58 : vector<16xf32>
      %parallel_loop3A_60 = arith.addf %parallel_loop3A_59, %parallel_loop3A_55 : vector<16xf32>
      %parallel_loop3A_61 = arith.index_cast %parallel_loop3A_52 : i32 to index
      %parallel_loop3A_62 = tpu.vector_load %arg11[%parallel_loop3A_61] {strides = array<i32>} : memref<12800xf32, #tpu.memory_space<vmem>>, vector<16xf32>,
      tpu.vector_store %arg11[%parallel_loop3A_61], %parallel_loop3A_60 {strides = array<i32>} : memref<12800xf32, #tpu.memory_space<vmem>>, vector<16xf32>,
    } {sc.loop_unroll_factor = 8 : i64, sc.parallel_access}
    "tpu.region"() ({
      %run_scoped3A = tpu.sem_alloc : memref<!tpu.dma_semaphore, #tpu.memory_space<semaphore_mem>>
      %dma_start3A = tpu.memref_slice %arg6[%add3A_23] : memref<4096000xf32, #tpu.memory_space<hbm>> -> memref<12800xf32, #tpu.memory_space<hbm>>
      %dma_start3A_52 = tpu.memref_slice %arg6[%add3A_23] : memref<4096000xf32, #tpu.memory_space<hbm>> -> memref<12800xf32, #tpu.memory_space<hbm>>
      tpu.enqueue_dma source(%arg11 : memref<12800xf32, #tpu.memory_space<vmem>>) target(%dma_start3A_52 : memref<12800xf32, #tpu.memory_space<hbm>>) target_semaphore(%run_scoped3A : memref<!tpu.dma_semaphore, #tpu.memory_space<semaphore_mem>>)
      %dma_wait3A = tpu.memref_slice %arg6[%add3A_23] : memref<4096000xf32, #tpu.memory_space<hbm>> -> memref<12800xf32, #tpu.memory_space<hbm>>
      %dma_wait3A_53 = tpu.memref_slice %arg6[%add3A_23] : memref<4096000xf32, #tpu.memory_space<hbm>> -> memref<12800xf32, #tpu.memory_space<hbm>>
      tpu.wait_dma2 semaphore(%run_scoped3A : memref<!tpu.dma_semaphore, #tpu.memory_space<semaphore_mem>>) src(%arg11 : memref<12800xf32, #tpu.memory_space<vmem>>) dst(%dma_wait3A_53 : memref<12800xf32, #tpu.memory_space<hbm>>)
      tpu.yield
    }) : () -> ()
    %add3A_27 = arith.constant 64000 : i32
    %add3A_28 = arith.addi %mul3A_2, %add3A_27 : i32
    "tpu.region"() ({
      %run_scoped3A = tpu.sem_alloc : memref<!tpu.dma_semaphore, #tpu.memory_space<semaphore_mem>>
      %dma_start3A = tpu.memref_slice %arg2[%add3A_28] : memref<4096000xi32, #tpu.memory_space<hbm>> -> memref<12800xi32, #tpu.memory_space<hbm>>
      %dma_start3A_52 = tpu.memref_slice %arg2[%add3A_28] : memref<4096000xi32, #tpu.memory_space<hbm>> -> memref<12800xi32, #tpu.memory_space<hbm>>
      tpu.enqueue_dma source(%dma_start3A_52 : memref<12800xi32, #tpu.memory_space<hbm>>) target(%arg9 : memref<12800xi32, #tpu.memory_space<vmem>>) target_semaphore(%run_scoped3A : memref<!tpu.dma_semaphore, #tpu.memory_space<semaphore_mem>>)
      %dma_wait3A = tpu.memref_slice %arg2[%add3A_28] : memref<4096000xi32, #tpu.memory_space<hbm>> -> memref<12800xi32, #tpu.memory_space<hbm>>
      %dma_wait3A_53 = tpu.memref_slice %arg2[%add3A_28] : memref<4096000xi32, #tpu.memory_space<hbm>> -> memref<12800xi32, #tpu.memory_space<hbm>>
      tpu.wait_dma2 semaphore(%run_scoped3A : memref<!tpu.dma_semaphore, #tpu.memory_space<semaphore_mem>>) src(%dma_wait3A_53 : memref<12800xi32, #tpu.memory_space<hbm>>) dst(%arg9 : memref<12800xi32, #tpu.memory_space<vmem>>)
      tpu.yield
    }) : () -> ()
    "tpu.region"() ({
      %run_scoped3A = tpu.sem_alloc : memref<!tpu.dma_semaphore, #tpu.memory_space<semaphore_mem>>
      %dma_start3A = tpu.memref_slice %arg3[%add3A_28] : memref<4096000xf32, #tpu.memory_space<hbm>> -> memref<12800xf32, #tpu.memory_space<hbm>>
      %dma_start3A_52 = tpu.memref_slice %arg3[%add3A_28] : memref<4096000xf32, #tpu.memory_space<hbm>> -> memref<12800xf32, #tpu.memory_space<hbm>>
      tpu.enqueue_dma source(%dma_start3A_52 : memref<12800xf32, #tpu.memory_space<hbm>>) target(%arg10 : memref<12800xf32, #tpu.memory_space<vmem>>) target_semaphore(%run_scoped3A : memref<!tpu.dma_semaphore, #tpu.memory_space<semaphore_mem>>)
      %dma_wait3A = tpu.memref_slice %arg3[%add3A_28] : memref<4096000xf32, #tpu.memory_space<hbm>> -> memref<12800xf32, #tpu.memory_space<hbm>>
      %dma_wait3A_53 = tpu.memref_slice %arg3[%add3A_28] : memref<4096000xf32, #tpu.memory_space<hbm>> -> memref<12800xf32, #tpu.memory_space<hbm>>
      tpu.wait_dma2 semaphore(%run_scoped3A : memref<!tpu.dma_semaphore, #tpu.memory_space<semaphore_mem>>) src(%dma_wait3A_53 : memref<12800xf32, #tpu.memory_space<hbm>>) dst(%arg10 : memref<12800xf32, #tpu.memory_space<vmem>>)
      tpu.yield
    }) : () -> ()
    %parallel_loop3A_29 = arith.constant 0 : i32
    %parallel_loop3A_30 = arith.constant 12800 : i32
    %parallel_loop3A_31 = arith.constant 16 : i32
    scf.for %parallel_loop3A_52 = %parallel_loop3A_29 to %parallel_loop3A_30 step %parallel_loop3A_31  : i32 {
      %parallel_loop3A_53 = arith.index_cast %parallel_loop3A_52 : i32 to index
      %parallel_loop3A_54 = tpu.vector_load %arg9[%parallel_loop3A_53] {strides = array<i32>} : memref<12800xi32, #tpu.memory_space<vmem>>, vector<16xi32>,
      %parallel_loop3A_55 = tpu.vector_load_idx %arg7[%parallel_loop3A_54] : memref<32xf32, #tpu.memory_space<vmem>>[vector<16xi32>], vector<16xf32>,
      %parallel_loop3A_56 = tpu.vector_load_idx %arg8[%parallel_loop3A_54] : memref<32xf32, #tpu.memory_space<vmem>>[vector<16xi32>], vector<16xf32>,
      %parallel_loop3A_57 = arith.index_cast %parallel_loop3A_52 : i32 to index
      %parallel_loop3A_58 = tpu.vector_load %arg10[%parallel_loop3A_57] {strides = array<i32>} : memref<12800xf32, #tpu.memory_space<vmem>>, vector<16xf32>,
      %parallel_loop3A_59 = arith.mulf %parallel_loop3A_56, %parallel_loop3A_58 : vector<16xf32>
      %parallel_loop3A_60 = arith.addf %parallel_loop3A_59, %parallel_loop3A_55 : vector<16xf32>
      %parallel_loop3A_61 = arith.index_cast %parallel_loop3A_52 : i32 to index
      %parallel_loop3A_62 = tpu.vector_load %arg11[%parallel_loop3A_61] {strides = array<i32>} : memref<12800xf32, #tpu.memory_space<vmem>>, vector<16xf32>,
      tpu.vector_store %arg11[%parallel_loop3A_61], %parallel_loop3A_60 {strides = array<i32>} : memref<12800xf32, #tpu.memory_space<vmem>>, vector<16xf32>,
    } {sc.loop_unroll_factor = 8 : i64, sc.parallel_access}
    "tpu.region"() ({
      %run_scoped3A = tpu.sem_alloc : memref<!tpu.dma_semaphore, #tpu.memory_space<semaphore_mem>>
      %dma_start3A = tpu.memref_slice %arg6[%add3A_28] : memref<4096000xf32, #tpu.memory_space<hbm>> -> memref<12800xf32, #tpu.memory_space<hbm>>
      %dma_start3A_52 = tpu.memref_slice %arg6[%add3A_28] : memref<4096000xf32, #tpu.memory_space<hbm>> -> memref<12800xf32, #tpu.memory_space<hbm>>
      tpu.enqueue_dma source(%arg11 : memref<12800xf32, #tpu.memory_space<vmem>>) target(%dma_start3A_52 : memref<12800xf32, #tpu.memory_space<hbm>>) target_semaphore(%run_scoped3A : memref<!tpu.dma_semaphore, #tpu.memory_space<semaphore_mem>>)
      %dma_wait3A = tpu.memref_slice %arg6[%add3A_28] : memref<4096000xf32, #tpu.memory_space<hbm>> -> memref<12800xf32, #tpu.memory_space<hbm>>
      %dma_wait3A_53 = tpu.memref_slice %arg6[%add3A_28] : memref<4096000xf32, #tpu.memory_space<hbm>> -> memref<12800xf32, #tpu.memory_space<hbm>>
      tpu.wait_dma2 semaphore(%run_scoped3A : memref<!tpu.dma_semaphore, #tpu.memory_space<semaphore_mem>>) src(%arg11 : memref<12800xf32, #tpu.memory_space<vmem>>) dst(%dma_wait3A_53 : memref<12800xf32, #tpu.memory_space<hbm>>)
      tpu.yield
    }) : () -> ()
    %add3A_32 = arith.constant 76800 : i32
    %add3A_33 = arith.addi %mul3A_2, %add3A_32 : i32
    "tpu.region"() ({
      %run_scoped3A = tpu.sem_alloc : memref<!tpu.dma_semaphore, #tpu.memory_space<semaphore_mem>>
      %dma_start3A = tpu.memref_slice %arg2[%add3A_33] : memref<4096000xi32, #tpu.memory_space<hbm>> -> memref<12800xi32, #tpu.memory_space<hbm>>
      %dma_start3A_52 = tpu.memref_slice %arg2[%add3A_33] : memref<4096000xi32, #tpu.memory_space<hbm>> -> memref<12800xi32, #tpu.memory_space<hbm>>
      tpu.enqueue_dma source(%dma_start3A_52 : memref<12800xi32, #tpu.memory_space<hbm>>) target(%arg9 : memref<12800xi32, #tpu.memory_space<vmem>>) target_semaphore(%run_scoped3A : memref<!tpu.dma_semaphore, #tpu.memory_space<semaphore_mem>>)
      %dma_wait3A = tpu.memref_slice %arg2[%add3A_33] : memref<4096000xi32, #tpu.memory_space<hbm>> -> memref<12800xi32, #tpu.memory_space<hbm>>
      %dma_wait3A_53 = tpu.memref_slice %arg2[%add3A_33] : memref<4096000xi32, #tpu.memory_space<hbm>> -> memref<12800xi32, #tpu.memory_space<hbm>>
      tpu.wait_dma2 semaphore(%run_scoped3A : memref<!tpu.dma_semaphore, #tpu.memory_space<semaphore_mem>>) src(%dma_wait3A_53 : memref<12800xi32, #tpu.memory_space<hbm>>) dst(%arg9 : memref<12800xi32, #tpu.memory_space<vmem>>)
      tpu.yield
    }) : () -> ()
    "tpu.region"() ({
      %run_scoped3A = tpu.sem_alloc : memref<!tpu.dma_semaphore, #tpu.memory_space<semaphore_mem>>
      %dma_start3A = tpu.memref_slice %arg3[%add3A_33] : memref<4096000xf32, #tpu.memory_space<hbm>> -> memref<12800xf32, #tpu.memory_space<hbm>>
      %dma_start3A_52 = tpu.memref_slice %arg3[%add3A_33] : memref<4096000xf32, #tpu.memory_space<hbm>> -> memref<12800xf32, #tpu.memory_space<hbm>>
      tpu.enqueue_dma source(%dma_start3A_52 : memref<12800xf32, #tpu.memory_space<hbm>>) target(%arg10 : memref<12800xf32, #tpu.memory_space<vmem>>) target_semaphore(%run_scoped3A : memref<!tpu.dma_semaphore, #tpu.memory_space<semaphore_mem>>)
      %dma_wait3A = tpu.memref_slice %arg3[%add3A_33] : memref<4096000xf32, #tpu.memory_space<hbm>> -> memref<12800xf32, #tpu.memory_space<hbm>>
      %dma_wait3A_53 = tpu.memref_slice %arg3[%add3A_33] : memref<4096000xf32, #tpu.memory_space<hbm>> -> memref<12800xf32, #tpu.memory_space<hbm>>
      tpu.wait_dma2 semaphore(%run_scoped3A : memref<!tpu.dma_semaphore, #tpu.memory_space<semaphore_mem>>) src(%dma_wait3A_53 : memref<12800xf32, #tpu.memory_space<hbm>>) dst(%arg10 : memref<12800xf32, #tpu.memory_space<vmem>>)
      tpu.yield
    }) : () -> ()
    %parallel_loop3A_34 = arith.constant 0 : i32
    %parallel_loop3A_35 = arith.constant 12800 : i32
    %parallel_loop3A_36 = arith.constant 16 : i32
    scf.for %parallel_loop3A_52 = %parallel_loop3A_34 to %parallel_loop3A_35 step %parallel_loop3A_36  : i32 {
      %parallel_loop3A_53 = arith.index_cast %parallel_loop3A_52 : i32 to index
      %parallel_loop3A_54 = tpu.vector_load %arg9[%parallel_loop3A_53] {strides = array<i32>} : memref<12800xi32, #tpu.memory_space<vmem>>, vector<16xi32>,
      %parallel_loop3A_55 = tpu.vector_load_idx %arg7[%parallel_loop3A_54] : memref<32xf32, #tpu.memory_space<vmem>>[vector<16xi32>], vector<16xf32>,
      %parallel_loop3A_56 = tpu.vector_load_idx %arg8[%parallel_loop3A_54] : memref<32xf32, #tpu.memory_space<vmem>>[vector<16xi32>], vector<16xf32>,
      %parallel_loop3A_57 = arith.index_cast %parallel_loop3A_52 : i32 to index
      %parallel_loop3A_58 = tpu.vector_load %arg10[%parallel_loop3A_57] {strides = array<i32>} : memref<12800xf32, #tpu.memory_space<vmem>>, vector<16xf32>,
      %parallel_loop3A_59 = arith.mulf %parallel_loop3A_56, %parallel_loop3A_58 : vector<16xf32>
      %parallel_loop3A_60 = arith.addf %parallel_loop3A_59, %parallel_loop3A_55 : vector<16xf32>
      %parallel_loop3A_61 = arith.index_cast %parallel_loop3A_52 : i32 to index
      %parallel_loop3A_62 = tpu.vector_load %arg11[%parallel_loop3A_61] {strides = array<i32>} : memref<12800xf32, #tpu.memory_space<vmem>>, vector<16xf32>,
      tpu.vector_store %arg11[%parallel_loop3A_61], %parallel_loop3A_60 {strides = array<i32>} : memref<12800xf32, #tpu.memory_space<vmem>>, vector<16xf32>,
    } {sc.loop_unroll_factor = 8 : i64, sc.parallel_access}
    "tpu.region"() ({
      %run_scoped3A = tpu.sem_alloc : memref<!tpu.dma_semaphore, #tpu.memory_space<semaphore_mem>>
      %dma_start3A = tpu.memref_slice %arg6[%add3A_33] : memref<4096000xf32, #tpu.memory_space<hbm>> -> memref<12800xf32, #tpu.memory_space<hbm>>
      %dma_start3A_52 = tpu.memref_slice %arg6[%add3A_33] : memref<4096000xf32, #tpu.memory_space<hbm>> -> memref<12800xf32, #tpu.memory_space<hbm>>
      tpu.enqueue_dma source(%arg11 : memref<12800xf32, #tpu.memory_space<vmem>>) target(%dma_start3A_52 : memref<12800xf32, #tpu.memory_space<hbm>>) target_semaphore(%run_scoped3A : memref<!tpu.dma_semaphore, #tpu.memory_space<semaphore_mem>>)
      %dma_wait3A = tpu.memref_slice %arg6[%add3A_33] : memref<4096000xf32, #tpu.memory_space<hbm>> -> memref<12800xf32, #tpu.memory_space<hbm>>
      %dma_wait3A_53 = tpu.memref_slice %arg6[%add3A_33] : memref<4096000xf32, #tpu.memory_space<hbm>> -> memref<12800xf32, #tpu.memory_space<hbm>>
      tpu.wait_dma2 semaphore(%run_scoped3A : memref<!tpu.dma_semaphore, #tpu.memory_space<semaphore_mem>>) src(%arg11 : memref<12800xf32, #tpu.memory_space<vmem>>) dst(%dma_wait3A_53 : memref<12800xf32, #tpu.memory_space<hbm>>)
      tpu.yield
    }) : () -> ()
    %add3A_37 = arith.constant 89600 : i32
    %add3A_38 = arith.addi %mul3A_2, %add3A_37 : i32
    "tpu.region"() ({
      %run_scoped3A = tpu.sem_alloc : memref<!tpu.dma_semaphore, #tpu.memory_space<semaphore_mem>>
      %dma_start3A = tpu.memref_slice %arg2[%add3A_38] : memref<4096000xi32, #tpu.memory_space<hbm>> -> memref<12800xi32, #tpu.memory_space<hbm>>
      %dma_start3A_52 = tpu.memref_slice %arg2[%add3A_38] : memref<4096000xi32, #tpu.memory_space<hbm>> -> memref<12800xi32, #tpu.memory_space<hbm>>
      tpu.enqueue_dma source(%dma_start3A_52 : memref<12800xi32, #tpu.memory_space<hbm>>) target(%arg9 : memref<12800xi32, #tpu.memory_space<vmem>>) target_semaphore(%run_scoped3A : memref<!tpu.dma_semaphore, #tpu.memory_space<semaphore_mem>>)
      %dma_wait3A = tpu.memref_slice %arg2[%add3A_38] : memref<4096000xi32, #tpu.memory_space<hbm>> -> memref<12800xi32, #tpu.memory_space<hbm>>
      %dma_wait3A_53 = tpu.memref_slice %arg2[%add3A_38] : memref<4096000xi32, #tpu.memory_space<hbm>> -> memref<12800xi32, #tpu.memory_space<hbm>>
      tpu.wait_dma2 semaphore(%run_scoped3A : memref<!tpu.dma_semaphore, #tpu.memory_space<semaphore_mem>>) src(%dma_wait3A_53 : memref<12800xi32, #tpu.memory_space<hbm>>) dst(%arg9 : memref<12800xi32, #tpu.memory_space<vmem>>)
      tpu.yield
    }) : () -> ()
    "tpu.region"() ({
      %run_scoped3A = tpu.sem_alloc : memref<!tpu.dma_semaphore, #tpu.memory_space<semaphore_mem>>
      %dma_start3A = tpu.memref_slice %arg3[%add3A_38] : memref<4096000xf32, #tpu.memory_space<hbm>> -> memref<12800xf32, #tpu.memory_space<hbm>>
      %dma_start3A_52 = tpu.memref_slice %arg3[%add3A_38] : memref<4096000xf32, #tpu.memory_space<hbm>> -> memref<12800xf32, #tpu.memory_space<hbm>>
      tpu.enqueue_dma source(%dma_start3A_52 : memref<12800xf32, #tpu.memory_space<hbm>>) target(%arg10 : memref<12800xf32, #tpu.memory_space<vmem>>) target_semaphore(%run_scoped3A : memref<!tpu.dma_semaphore, #tpu.memory_space<semaphore_mem>>)
      %dma_wait3A = tpu.memref_slice %arg3[%add3A_38] : memref<4096000xf32, #tpu.memory_space<hbm>> -> memref<12800xf32, #tpu.memory_space<hbm>>
      %dma_wait3A_53 = tpu.memref_slice %arg3[%add3A_38] : memref<4096000xf32, #tpu.memory_space<hbm>> -> memref<12800xf32, #tpu.memory_space<hbm>>
      tpu.wait_dma2 semaphore(%run_scoped3A : memref<!tpu.dma_semaphore, #tpu.memory_space<semaphore_mem>>) src(%dma_wait3A_53 : memref<12800xf32, #tpu.memory_space<hbm>>) dst(%arg10 : memref<12800xf32, #tpu.memory_space<vmem>>)
      tpu.yield
    }) : () -> ()
    %parallel_loop3A_39 = arith.constant 0 : i32
    %parallel_loop3A_40 = arith.constant 12800 : i32
    %parallel_loop3A_41 = arith.constant 16 : i32
    scf.for %parallel_loop3A_52 = %parallel_loop3A_39 to %parallel_loop3A_40 step %parallel_loop3A_41  : i32 {
      %parallel_loop3A_53 = arith.index_cast %parallel_loop3A_52 : i32 to index
      %parallel_loop3A_54 = tpu.vector_load %arg9[%parallel_loop3A_53] {strides = array<i32>} : memref<12800xi32, #tpu.memory_space<vmem>>, vector<16xi32>,
      %parallel_loop3A_55 = tpu.vector_load_idx %arg7[%parallel_loop3A_54] : memref<32xf32, #tpu.memory_space<vmem>>[vector<16xi32>], vector<16xf32>,
      %parallel_loop3A_56 = tpu.vector_load_idx %arg8[%parallel_loop3A_54] : memref<32xf32, #tpu.memory_space<vmem>>[vector<16xi32>], vector<16xf32>,
      %parallel_loop3A_57 = arith.index_cast %parallel_loop3A_52 : i32 to index
      %parallel_loop3A_58 = tpu.vector_load %arg10[%parallel_loop3A_57] {strides = array<i32>} : memref<12800xf32, #tpu.memory_space<vmem>>, vector<16xf32>,
      %parallel_loop3A_59 = arith.mulf %parallel_loop3A_56, %parallel_loop3A_58 : vector<16xf32>
      %parallel_loop3A_60 = arith.addf %parallel_loop3A_59, %parallel_loop3A_55 : vector<16xf32>
      %parallel_loop3A_61 = arith.index_cast %parallel_loop3A_52 : i32 to index
      %parallel_loop3A_62 = tpu.vector_load %arg11[%parallel_loop3A_61] {strides = array<i32>} : memref<12800xf32, #tpu.memory_space<vmem>>, vector<16xf32>,
      tpu.vector_store %arg11[%parallel_loop3A_61], %parallel_loop3A_60 {strides = array<i32>} : memref<12800xf32, #tpu.memory_space<vmem>>, vector<16xf32>,
    } {sc.loop_unroll_factor = 8 : i64, sc.parallel_access}
    "tpu.region"() ({
      %run_scoped3A = tpu.sem_alloc : memref<!tpu.dma_semaphore, #tpu.memory_space<semaphore_mem>>
      %dma_start3A = tpu.memref_slice %arg6[%add3A_38] : memref<4096000xf32, #tpu.memory_space<hbm>> -> memref<12800xf32, #tpu.memory_space<hbm>>
      %dma_start3A_52 = tpu.memref_slice %arg6[%add3A_38] : memref<4096000xf32, #tpu.memory_space<hbm>> -> memref<12800xf32, #tpu.memory_space<hbm>>
      tpu.enqueue_dma source(%arg11 : memref<12800xf32, #tpu.memory_space<vmem>>) target(%dma_start3A_52 : memref<12800xf32, #tpu.memory_space<hbm>>) target_semaphore(%run_scoped3A : memref<!tpu.dma_semaphore, #tpu.memory_space<semaphore_mem>>)
      %dma_wait3A = tpu.memref_slice %arg6[%add3A_38] : memref<4096000xf32, #tpu.memory_space<hbm>> -> memref<12800xf32, #tpu.memory_space<hbm>>
      %dma_wait3A_53 = tpu.memref_slice %arg6[%add3A_38] : memref<4096000xf32, #tpu.memory_space<hbm>> -> memref<12800xf32, #tpu.memory_space<hbm>>
      tpu.wait_dma2 semaphore(%run_scoped3A : memref<!tpu.dma_semaphore, #tpu.memory_space<semaphore_mem>>) src(%arg11 : memref<12800xf32, #tpu.memory_space<vmem>>) dst(%dma_wait3A_53 : memref<12800xf32, #tpu.memory_space<hbm>>)
      tpu.yield
    }) : () -> ()
    %add3A_42 = arith.constant 102400 : i32
    %add3A_43 = arith.addi %mul3A_2, %add3A_42 : i32
    "tpu.region"() ({
      %run_scoped3A = tpu.sem_alloc : memref<!tpu.dma_semaphore, #tpu.memory_space<semaphore_mem>>
      %dma_start3A = tpu.memref_slice %arg2[%add3A_43] : memref<4096000xi32, #tpu.memory_space<hbm>> -> memref<12800xi32, #tpu.memory_space<hbm>>
      %dma_start3A_52 = tpu.memref_slice %arg2[%add3A_43] : memref<4096000xi32, #tpu.memory_space<hbm>> -> memref<12800xi32, #tpu.memory_space<hbm>>
      tpu.enqueue_dma source(%dma_start3A_52 : memref<12800xi32, #tpu.memory_space<hbm>>) target(%arg9 : memref<12800xi32, #tpu.memory_space<vmem>>) target_semaphore(%run_scoped3A : memref<!tpu.dma_semaphore, #tpu.memory_space<semaphore_mem>>)
      %dma_wait3A = tpu.memref_slice %arg2[%add3A_43] : memref<4096000xi32, #tpu.memory_space<hbm>> -> memref<12800xi32, #tpu.memory_space<hbm>>
      %dma_wait3A_53 = tpu.memref_slice %arg2[%add3A_43] : memref<4096000xi32, #tpu.memory_space<hbm>> -> memref<12800xi32, #tpu.memory_space<hbm>>
      tpu.wait_dma2 semaphore(%run_scoped3A : memref<!tpu.dma_semaphore, #tpu.memory_space<semaphore_mem>>) src(%dma_wait3A_53 : memref<12800xi32, #tpu.memory_space<hbm>>) dst(%arg9 : memref<12800xi32, #tpu.memory_space<vmem>>)
      tpu.yield
    }) : () -> ()
    "tpu.region"() ({
      %run_scoped3A = tpu.sem_alloc : memref<!tpu.dma_semaphore, #tpu.memory_space<semaphore_mem>>
      %dma_start3A = tpu.memref_slice %arg3[%add3A_43] : memref<4096000xf32, #tpu.memory_space<hbm>> -> memref<12800xf32, #tpu.memory_space<hbm>>
      %dma_start3A_52 = tpu.memref_slice %arg3[%add3A_43] : memref<4096000xf32, #tpu.memory_space<hbm>> -> memref<12800xf32, #tpu.memory_space<hbm>>
      tpu.enqueue_dma source(%dma_start3A_52 : memref<12800xf32, #tpu.memory_space<hbm>>) target(%arg10 : memref<12800xf32, #tpu.memory_space<vmem>>) target_semaphore(%run_scoped3A : memref<!tpu.dma_semaphore, #tpu.memory_space<semaphore_mem>>)
      %dma_wait3A = tpu.memref_slice %arg3[%add3A_43] : memref<4096000xf32, #tpu.memory_space<hbm>> -> memref<12800xf32, #tpu.memory_space<hbm>>
      %dma_wait3A_53 = tpu.memref_slice %arg3[%add3A_43] : memref<4096000xf32, #tpu.memory_space<hbm>> -> memref<12800xf32, #tpu.memory_space<hbm>>
      tpu.wait_dma2 semaphore(%run_scoped3A : memref<!tpu.dma_semaphore, #tpu.memory_space<semaphore_mem>>) src(%dma_wait3A_53 : memref<12800xf32, #tpu.memory_space<hbm>>) dst(%arg10 : memref<12800xf32, #tpu.memory_space<vmem>>)
      tpu.yield
    }) : () -> ()
    %parallel_loop3A_44 = arith.constant 0 : i32
    %parallel_loop3A_45 = arith.constant 12800 : i32
    %parallel_loop3A_46 = arith.constant 16 : i32
    scf.for %parallel_loop3A_52 = %parallel_loop3A_44 to %parallel_loop3A_45 step %parallel_loop3A_46  : i32 {
      %parallel_loop3A_53 = arith.index_cast %parallel_loop3A_52 : i32 to index
      %parallel_loop3A_54 = tpu.vector_load %arg9[%parallel_loop3A_53] {strides = array<i32>} : memref<12800xi32, #tpu.memory_space<vmem>>, vector<16xi32>,
      %parallel_loop3A_55 = tpu.vector_load_idx %arg7[%parallel_loop3A_54] : memref<32xf32, #tpu.memory_space<vmem>>[vector<16xi32>], vector<16xf32>,
      %parallel_loop3A_56 = tpu.vector_load_idx %arg8[%parallel_loop3A_54] : memref<32xf32, #tpu.memory_space<vmem>>[vector<16xi32>], vector<16xf32>,
      %parallel_loop3A_57 = arith.index_cast %parallel_loop3A_52 : i32 to index
      %parallel_loop3A_58 = tpu.vector_load %arg10[%parallel_loop3A_57] {strides = array<i32>} : memref<12800xf32, #tpu.memory_space<vmem>>, vector<16xf32>,
      %parallel_loop3A_59 = arith.mulf %parallel_loop3A_56, %parallel_loop3A_58 : vector<16xf32>
      %parallel_loop3A_60 = arith.addf %parallel_loop3A_59, %parallel_loop3A_55 : vector<16xf32>
      %parallel_loop3A_61 = arith.index_cast %parallel_loop3A_52 : i32 to index
      %parallel_loop3A_62 = tpu.vector_load %arg11[%parallel_loop3A_61] {strides = array<i32>} : memref<12800xf32, #tpu.memory_space<vmem>>, vector<16xf32>,
      tpu.vector_store %arg11[%parallel_loop3A_61], %parallel_loop3A_60 {strides = array<i32>} : memref<12800xf32, #tpu.memory_space<vmem>>, vector<16xf32>,
    } {sc.loop_unroll_factor = 8 : i64, sc.parallel_access}
    "tpu.region"() ({
      %run_scoped3A = tpu.sem_alloc : memref<!tpu.dma_semaphore, #tpu.memory_space<semaphore_mem>>
      %dma_start3A = tpu.memref_slice %arg6[%add3A_43] : memref<4096000xf32, #tpu.memory_space<hbm>> -> memref<12800xf32, #tpu.memory_space<hbm>>
      %dma_start3A_52 = tpu.memref_slice %arg6[%add3A_43] : memref<4096000xf32, #tpu.memory_space<hbm>> -> memref<12800xf32, #tpu.memory_space<hbm>>
      tpu.enqueue_dma source(%arg11 : memref<12800xf32, #tpu.memory_space<vmem>>) target(%dma_start3A_52 : memref<12800xf32, #tpu.memory_space<hbm>>) target_semaphore(%run_scoped3A : memref<!tpu.dma_semaphore, #tpu.memory_space<semaphore_mem>>)
      %dma_wait3A = tpu.memref_slice %arg6[%add3A_43] : memref<4096000xf32, #tpu.memory_space<hbm>> -> memref<12800xf32, #tpu.memory_space<hbm>>
      %dma_wait3A_53 = tpu.memref_slice %arg6[%add3A_43] : memref<4096000xf32, #tpu.memory_space<hbm>> -> memref<12800xf32, #tpu.memory_space<hbm>>
      tpu.wait_dma2 semaphore(%run_scoped3A : memref<!tpu.dma_semaphore, #tpu.memory_space<semaphore_mem>>) src(%arg11 : memref<12800xf32, #tpu.memory_space<vmem>>) dst(%dma_wait3A_53 : memref<12800xf32, #tpu.memory_space<hbm>>)
      tpu.yield
    }) : () -> ()
    %add3A_47 = arith.constant 115200 : i32
    %add3A_48 = arith.addi %mul3A_2, %add3A_47 : i32
    "tpu.region"() ({
      %run_scoped3A = tpu.sem_alloc : memref<!tpu.dma_semaphore, #tpu.memory_space<semaphore_mem>>
      %dma_start3A = tpu.memref_slice %arg2[%add3A_48] : memref<4096000xi32, #tpu.memory_space<hbm>> -> memref<12800xi32, #tpu.memory_space<hbm>>
      %dma_start3A_52 = tpu.memref_slice %arg2[%add3A_48] : memref<4096000xi32, #tpu.memory_space<hbm>> -> memref<12800xi32, #tpu.memory_space<hbm>>
      tpu.enqueue_dma source(%dma_start3A_52 : memref<12800xi32, #tpu.memory_space<hbm>>) target(%arg9 : memref<12800xi32, #tpu.memory_space<vmem>>) target_semaphore(%run_scoped3A : memref<!tpu.dma_semaphore, #tpu.memory_space<semaphore_mem>>)
      %dma_wait3A = tpu.memref_slice %arg2[%add3A_48] : memref<4096000xi32, #tpu.memory_space<hbm>> -> memref<12800xi32, #tpu.memory_space<hbm>>
      %dma_wait3A_53 = tpu.memref_slice %arg2[%add3A_48] : memref<4096000xi32, #tpu.memory_space<hbm>> -> memref<12800xi32, #tpu.memory_space<hbm>>
      tpu.wait_dma2 semaphore(%run_scoped3A : memref<!tpu.dma_semaphore, #tpu.memory_space<semaphore_mem>>) src(%dma_wait3A_53 : memref<12800xi32, #tpu.memory_space<hbm>>) dst(%arg9 : memref<12800xi32, #tpu.memory_space<vmem>>)
      tpu.yield
    }) : () -> ()
    "tpu.region"() ({
      %run_scoped3A = tpu.sem_alloc : memref<!tpu.dma_semaphore, #tpu.memory_space<semaphore_mem>>
      %dma_start3A = tpu.memref_slice %arg3[%add3A_48] : memref<4096000xf32, #tpu.memory_space<hbm>> -> memref<12800xf32, #tpu.memory_space<hbm>>
      %dma_start3A_52 = tpu.memref_slice %arg3[%add3A_48] : memref<4096000xf32, #tpu.memory_space<hbm>> -> memref<12800xf32, #tpu.memory_space<hbm>>
      tpu.enqueue_dma source(%dma_start3A_52 : memref<12800xf32, #tpu.memory_space<hbm>>) target(%arg10 : memref<12800xf32, #tpu.memory_space<vmem>>) target_semaphore(%run_scoped3A : memref<!tpu.dma_semaphore, #tpu.memory_space<semaphore_mem>>)
      %dma_wait3A = tpu.memref_slice %arg3[%add3A_48] : memref<4096000xf32, #tpu.memory_space<hbm>> -> memref<12800xf32, #tpu.memory_space<hbm>>
      %dma_wait3A_53 = tpu.memref_slice %arg3[%add3A_48] : memref<4096000xf32, #tpu.memory_space<hbm>> -> memref<12800xf32, #tpu.memory_space<hbm>>
      tpu.wait_dma2 semaphore(%run_scoped3A : memref<!tpu.dma_semaphore, #tpu.memory_space<semaphore_mem>>) src(%dma_wait3A_53 : memref<12800xf32, #tpu.memory_space<hbm>>) dst(%arg10 : memref<12800xf32, #tpu.memory_space<vmem>>)
      tpu.yield
    }) : () -> ()
    %parallel_loop3A_49 = arith.constant 0 : i32
    %parallel_loop3A_50 = arith.constant 12800 : i32
    %parallel_loop3A_51 = arith.constant 16 : i32
    scf.for %parallel_loop3A_52 = %parallel_loop3A_49 to %parallel_loop3A_50 step %parallel_loop3A_51  : i32 {
      %parallel_loop3A_53 = arith.index_cast %parallel_loop3A_52 : i32 to index
      %parallel_loop3A_54 = tpu.vector_load %arg9[%parallel_loop3A_53] {strides = array<i32>} : memref<12800xi32, #tpu.memory_space<vmem>>, vector<16xi32>,
      %parallel_loop3A_55 = tpu.vector_load_idx %arg7[%parallel_loop3A_54] : memref<32xf32, #tpu.memory_space<vmem>>[vector<16xi32>], vector<16xf32>,
      %parallel_loop3A_56 = tpu.vector_load_idx %arg8[%parallel_loop3A_54] : memref<32xf32, #tpu.memory_space<vmem>>[vector<16xi32>], vector<16xf32>,
      %parallel_loop3A_57 = arith.index_cast %parallel_loop3A_52 : i32 to index
      %parallel_loop3A_58 = tpu.vector_load %arg10[%parallel_loop3A_57] {strides = array<i32>} : memref<12800xf32, #tpu.memory_space<vmem>>, vector<16xf32>,
      %parallel_loop3A_59 = arith.mulf %parallel_loop3A_56, %parallel_loop3A_58 : vector<16xf32>
      %parallel_loop3A_60 = arith.addf %parallel_loop3A_59, %parallel_loop3A_55 : vector<16xf32>
      %parallel_loop3A_61 = arith.index_cast %parallel_loop3A_52 : i32 to index
      %parallel_loop3A_62 = tpu.vector_load %arg11[%parallel_loop3A_61] {strides = array<i32>} : memref<12800xf32, #tpu.memory_space<vmem>>, vector<16xf32>,
      tpu.vector_store %arg11[%parallel_loop3A_61], %parallel_loop3A_60 {strides = array<i32>} : memref<12800xf32, #tpu.memory_space<vmem>>, vector<16xf32>,
    } {sc.loop_unroll_factor = 8 : i64, sc.parallel_access}
    "tpu.region"() ({
      %run_scoped3A = tpu.sem_alloc : memref<!tpu.dma_semaphore, #tpu.memory_space<semaphore_mem>>
      %dma_start3A = tpu.memref_slice %arg6[%add3A_48] : memref<4096000xf32, #tpu.memory_space<hbm>> -> memref<12800xf32, #tpu.memory_space<hbm>>
      %dma_start3A_52 = tpu.memref_slice %arg6[%add3A_48] : memref<4096000xf32, #tpu.memory_space<hbm>> -> memref<12800xf32, #tpu.memory_space<hbm>>
      tpu.enqueue_dma source(%arg11 : memref<12800xf32, #tpu.memory_space<vmem>>) target(%dma_start3A_52 : memref<12800xf32, #tpu.memory_space<hbm>>) target_semaphore(%run_scoped3A : memref<!tpu.dma_semaphore, #tpu.memory_space<semaphore_mem>>)
      %dma_wait3A = tpu.memref_slice %arg6[%add3A_48] : memref<4096000xf32, #tpu.memory_space<hbm>> -> memref<12800xf32, #tpu.memory_space<hbm>>
      %dma_wait3A_53 = tpu.memref_slice %arg6[%add3A_48] : memref<4096000xf32, #tpu.memory_space<hbm>> -> memref<12800xf32, #tpu.memory_space<hbm>>
      tpu.wait_dma2 semaphore(%run_scoped3A : memref<!tpu.dma_semaphore, #tpu.memory_space<semaphore_mem>>) src(%arg11 : memref<12800xf32, #tpu.memory_space<vmem>>) dst(%dma_wait3A_53 : memref<12800xf32, #tpu.memory_space<hbm>>)
      tpu.yield
    }) : () -> ()
    return
  }
}

</mosaic_0001>

<sc_bundles>
// kernel: kernel.3.cloned.1.call-start
scs
__scs_entry_jumppad:
0x0: {  	(pc) =	sbr.rel $0x88, $3  }
0x1: {  	(tag) =	ssettag $0x0;
	lr =	simm.s32 $0x1  }
0x2: {  	[smem:$0x3F9E] =	sst lr;
	_ =	strace $0xD0000000  }
0x3: {  	_ = 	snop  }
0x4: {  	_ = 	snop  }
0x5: {  	_ = 	snop  }
0x6: {  	_ = 	snop  }
0x7: {  	_ = 	snop  }
__scs_overlays_trampoline_lowered:
0x8: {  	[smem:$0x3FAD] =	sst s0  }
0x9: {  	[smem:$0x3FAE] =	sst s1  }
0xa: {  	[smem:$0x3FAF] =	sst s2  }
0xb: {  	[smem:$0x3FB0] =	sst s3  }
0xc: {  	[smem:$0x3FB1] =	sst s4  }
0xd: {  	[smem:$0x3FB2] =	sst s5  }
0xe: {  	[smem:$0x3FB3] =	sst s6  }
0xf: {  	[smem:$0x3FB4] =	sst s7  }
0x10: {  	[smem:$0x3FB5] =	sst s8  }
0x11: {  	[smem:$0x3FB6] =	sst s9;
	s0 =	simm.s32 @!p0 $0x0  }
0x12: {  	s1 =	sld [smem:$0x3F9C];
	s0 =	simm.s32 @p0 $0x1  }
0x13: {  	[smem:$0x3FB7] =	sst s0;
	s0 =	simm.s32 @!p1 $0x0  }
0x14: {  	s2 =	sld [smem:$0x3F9B];
	s0 =	simm.s32 @p1 $0x1  }
0x15: {  	[smem:$0x3FB8] =	sst s0;
	s0 =	simm.s32 @!p2 $0x0  }
0x16: {  	s3 =	sld [smem:$0x3FDB];
	s0 =	simm.s32 @p2 $0x1  }
0x17: {  	s4 =	simm.s32 $0x1BF5;
	[smem:$0x3FBA] =	sst s0  }
0x18: {  	s0 =	sld [smem:$0x3F9D];
	_ =	swait.ge [sflag:s4], $0x0  }
0x19: {  	s7 =	sld [smem:$0x3F9E]  }
0x1a: {  	s8 =	sadd.s32 $0xFFFFE003, lr  }
0x1b: {  	s9 =	sadd.s32 $0xFFFFFEF7, lr;
	s5 =	simm.s32 $0xFFFFFFFF;
	p2 =	slt.u32 s8, $0xFFFFF086  }
0x1c: {  	p1 =	slt.u32 s9, $0xF7A;
	s5 =	simm.s32 @!p2 $0x0  }
0x1d: {  	s5 =	simm.s32 @p1 $0x1;
	p0 =	seq.s32 s7, s2  }
0x1e: {  	s7 =	smul.u32 @!p0 $0xF7A, s2;
	p2 =	seq.s32 @!p0 s5, $0x0  }
0x1f: {  	s9 =	smul.u32 $0xF7A, s1;
	s8 =	simm.s32 @!p0 $0x1BF5;
	p2 =	por !p2, p0  }
0x20: {  	[sflag:s8] =	ssyncset.s32 @!p0 $0xFFFFF086;
	s6 =	sadd.s32 @!p0 s3, s7;
	s7 =	simm.s32 @!p0 $0x108  }
0x21: {  	s3 =	sadd.s32 s3, s9;
	s6 =	sadd.s32 @!p0 $0x88, s6;
	s7 =	simm.s32 @p2 $0x1082  }
0x22: {  	[simem:s7], [sflag:s8] =	dma.local @!p0 [hbm:s6], $0xF7A  }
0x23: {  	s9 =	sor.u32 $0xD0000000, s2;
	s6 =	simm.s32 $0x108;
	_ =	swait.ge @!p0 [sflag:s8], $0x0  }
0x24: {  	s3 =	sadd.s32 $0x88, s3;
	s6 =	simm.s32 @!p1 $0x1082;
	[sflag:s4] =	ssyncset.s32 $0xFFFFF086  }
0x25: {  	[simem:s6], [sflag:s4] =	dma.local [hbm:s3], $0xF7A  }
0x26: {  	[smem:$0x3F9E] =	sst s1;
	(tag) =	ssettag s2;
	_ =	strace s9  }
0x27: {  	s1 =	sld [smem:$0x3FAE]  }
0x28: {  	s2 =	sld [smem:$0x3FAF]  }
0x29: {  	s4 =	sld [smem:$0x3FB1]  }
0x2a: {  	p0 =	seq.s32 s5, $0x0;
	s5 =	sld [smem:$0x3FB2]  }
0x2b: {  	s6 =	sld [smem:$0x3FB3]  }
0x2c: {  	s7 =	sld [smem:$0x3FB4]  }
0x2d: {  	s3 =	simm.s32 $0x108;
	s8 =	sld [smem:$0x3FB5]  }
0x2e: {  	s3 =	simm.s32 @!p0 $0x1082;
	s9 =	sld [smem:$0x3FB6]  }
0x2f: {  	lr =	sadd.s32 s0, s3;
	s0 =	sld [smem:$0x3FAD]  }
0x30: {  	s3 =	sld [smem:$0x3FB0]  }
0x31: {  	[smem:$0x3FB9] =	sst s10  }
0x32: {  	s10 =	sld [smem:$0x3FB7];
	_ =	sdelay $0x3  }
0x33: {  	p0 =	seq.s32 s10, $0x1;
	s10 =	sld [smem:$0x3FB9];
	_ =	sdelay $0x3  }
0x34: {  	[smem:$0x3FB9] =	sst s10  }
0x35: {  	s10 =	sld [smem:$0x3FB8];
	_ =	sdelay $0x3  }
0x36: {  	p1 =	seq.s32 s10, $0x1;
	s10 =	sld [smem:$0x3FB9];
	_ =	sdelay $0x3  }
0x37: {  	[smem:$0x3FB9] =	sst s10  }
0x38: {  	s10 =	sld [smem:$0x3FBA]  }
0x39: {  	_ = 	snop;
	(pc) =	sbr.ind lr, $3  }
0x3a: {  	_ = 	snop  }
0x3b: {  	_ = 	snop  }
0x3c: {  	p2 =	seq.s32 s10, $0x1;
	s10 =	sld [smem:$0x3FB9]  }
0x3d: {  	_ =	shalt  }
0x3e: {  	_ =	shalt  }
0x3f: {  	_ =	shalt  }
0x40: {  	_ =	shalt  }
0x41: {  	_ =	shalt  }
0x42: {  	_ =	shalt  }
0x43: {  	_ =	shalt  }
0x44: {  	_ =	shalt  }
0x45: {  	_ =	shalt  }
0x46: {  	_ =	shalt  }
0x47: {  	_ =	shalt  }
0x48: {  	_ =	shalt  }
0x49: {  	_ =	shalt  }
0x4a: {  	_ =	shalt  }
0x4b: {  	_ =	shalt  }
0x4c: {  	_ =	shalt  }
0x4d: {  	_ =	shalt  }
0x4e: {  	_ =	shalt  }
0x4f: {  	_ =	shalt  }
0x50: {  	_ =	shalt  }
0x51: {  	_ =	shalt  }
0x52: {  	_ =	shalt  }
0x53: {  	_ =	shalt  }
0x54: {  	_ =	shalt  }
0x55: {  	_ =	shalt  }
0x56: {  	_ =	shalt  }
0x57: {  	_ =	shalt  }
0x58: {  	_ =	shalt  }
0x59: {  	_ =	shalt  }
0x5a: {  	_ =	shalt  }
0x5b: {  	_ =	shalt  }
0x5c: {  	_ =	shalt  }
0x5d: {  	_ =	shalt  }
0x5e: {  	_ =	shalt  }
0x5f: {  	_ =	shalt  }
0x60: {  	_ =	shalt  }
0x61: {  	_ =	shalt  }
0x62: {  	_ =	shalt  }
0x63: {  	_ =	shalt  }
0x64: {  	_ =	shalt  }
0x65: {  	_ =	shalt  }
0x66: {  	_ =	shalt  }
0x67: {  	_ =	shalt  }
0x68: {  	_ =	shalt  }
0x69: {  	_ =	shalt  }
0x6a: {  	_ =	shalt  }
0x6b: {  	_ =	shalt  }
0x6c: {  	_ =	shalt  }
0x6d: {  	_ =	shalt  }
0x6e: {  	_ =	shalt  }
0x6f: {  	_ =	shalt  }
0x70: {  	_ =	shalt  }
0x71: {  	_ =	shalt  }
0x72: {  	_ =	shalt  }
0x73: {  	_ =	shalt  }
0x74: {  	_ =	shalt  }
0x75: {  	_ =	shalt  }
0x76: {  	_ =	shalt  }
0x77: {  	_ =	shalt  }
0x78: {  	_ =	shalt  }
0x79: {  	_ =	shalt  }
0x7a: {  	_ =	shalt  }
0x7b: {  	_ =	shalt  }
0x7c: {  	_ =	shalt  }
0x7d: {  	_ =	shalt  }
0x7e: {  	_ =	shalt  }
0x7f: {  	_ =	shalt  }
0x80: {  	_ =	shalt  }
0x81: {  	_ =	shalt  }
0x82: {  	_ =	shalt  }
0x83: {  	_ =	shalt  }
0x84: {  	_ =	shalt  }
0x85: {  	_ =	shalt  }
0x86: {  	_ =	shalt  }
0x87: {  	_ =	shalt  }
.Lfunc_end0:
.L_simem_size_0:
called_computation_lowered:
.L_overlay_start_0:
0x88: {  	s2 =	sld [smem:$0x3FD9]  }
0x89: {  	s3 =	sld [smem:$0x3FFE];
	_ =	sdelay $0x1  }
0x8a: {  	s1 =	srdreg.scid  }
0x8b: {  	s0 =	sand.u32 $0x1, s1  }
0x8c: {  	s17 =	sshll.u32 s0, $0xA;
	s2 =	sadd.s32 s3, s2  }
0x8d: {  	s2 =	sadd.s32 s2, s17  }
0x8e: {  	[smem:$0x3FC5] =	sst s2  }
0x8f: {  	_ = 	snop  }
0x90: {  	s2 =	sld [smem:$0x3FD0];
	(tm) =	ssettm $0x1  }
0x91: {  	s18 =	sld [smem:$0x3FFB];
	_ =	sdelay $0x3  }
0x92: {  	_ =	strace s18  }
0x93: {  	s3 =	sld [smem:$0x3FFC];
	_ =	sdelay $0x3  }
0x94: {  	_ =	strace s3  }
0x95: {  	s3 =	sld [smem:$0x3FFD];
	_ =	sdelay $0x3  }
0x96: {  	_ =	strace s3  }
0x97: {  	_ =	strace $0x8FFFFFFF  }
0x98: {  	s19 =	sld [smem:$0x3FDB];
	_ =	sdelay $0x1  }
0x99: {  	s4 =	simm.s32 $_scs_section_size  }
0x9a: {  	s5 =	simm.s32 $_size__tile_overlayer_lowered;
	s6 =	simm.s32 $_tile_overlayer_lowered  }
0x9b: {  	s22 =	simm.s32 $0x1BFF;
	s21 =	sshll.u32 s6, $0x1;
	s3 =	sadd.s32 s4, s19  }
0x9c: {  	s7 =	simm.s32 $0x0;
	s20 =	sshll.u32 s5, $0x1;
	s5 =	sadd.s32 s21, s3  }
0x9d: {  	[timem:s7], [sflag:s22] =	dma.local [hbm:s5], s20  }
0x9e: {  	_ =	swait.ge [sflag:s22], s20  }
0x9f: {  	s4 =	ssub.s32 $0x0, s20;
	[sflag:s22] =	ssyncset.done $0x0  }
0xa0: {  	[sflag:s22] =	ssyncadd.s32 s4;
	_ =	sdelay $0x1  }
0xa1: {  	s23 =	simm.s32 $0x1B8B  }
0xa2: {  	_ =	swait.ge [sflag:s23], $0x1  }
0xa3: {  	[sflag:s23] =	ssyncset.done $0x0  }
0xa4: {  	s25 =	simm.s32 $0x1B8E;
	s24 =	sld [smem:$0x3FFE];
	[sflag:s23] =	ssyncadd.s32 $0xFFFFFFFF  }
0xa5: {  	s26 =	simm.s32 $execute0_lowered;
	[smem:$0x3FD2] =	sst s25  }
0xa6: {  	s5 =	sshll.u32 s26, $0x1;
	_ =	strace $0x80000046;
	[dreg:$0x1] =	wrdreg $0xFFFFFFFF  }
0xa7: {  	s28 =	simm.s32 $_size_execute0_lowered;
	s3 =	sadd.s32 s3, s5;
	[dreg:$0x0] =	wrdreg $0x0  }
0xa8: {  	s5 =	sshll.u32 s28, $0x1;
	[dreg:$0x2] =	wrdreg s3  }
0xa9: {  	[dreg:$0x3] =	wrdreg s5  }
0xaa: {  	[dreg:$0x4] =	wrdreg $0xC0  }
0xab: {  	_ =	task [dreg:s7], $0x5FFFF  }
0xac: {  	[dreg:$0x1] =	wrdreg $0xFFFFFFFF  }
0xad: {  	[dreg:$0x0] =	wrdreg $0x60  }
0xae: {  	[dreg:$0x2] =	wrdreg s2  }
0xaf: {  	[dreg:$0x3] =	wrdreg s24  }
0xb0: {  	[dreg:$0x4] =	wrdreg $0x9  }
0xb1: {  	_ =	task.clear_ibuf [dreg:s7], $0x5FFFF;
	_ =	strace $0x90000046  }
0xb2: {  	s29 =	simm.s32 $0x9;
	_ =	strace $0x80000048  }
0xb3: {  	_ =	swait.ge [sflag:s29], $0x1  }
0xb4: {  	[sflag:s29] =	ssyncadd.s32 $0xFFFFFFFF  }
0xb5: {  	_ =	strace $0x90000048  }
0xb6: {  	_ =	sfence  }
0xb7: {  	s30 =	sld [smem:$0x0];
	_ =	sdelay $0x2  }
0xb8: {  	s31 =	sshll.u32 s1, $0xD;
	s1 =	sshrl.u32 s1, $0x2  }
0xb9: {  	s3 =	sand.u32 $0x4000, s31;
	s1 =	sadd.s32 s1, s30  }
0xba: {  	s0 =	sor.u32 s3, s0;
	s1 =	sshll.u32 s1, $0x11  }
0xbb: {  	s0 =	sor.u32 s1, s0  }
0xbc: {  	s0 =	sadd.s32 $0x8F2B, s0  }
0xbd: {  	[sflag:s0] =	ssyncadd.remote.s32 $0x1  }
0xbe: {  	_ =	sfence.sel $0xFFFF  }
0xbf: {  	[dreg:$0x0] =	wrdreg $0xFFFFFFFF;
	(pc) =	sbr.abs _section_cstart, $3  }
0xc0: {  	[dreg:$0x1] =	wrdreg $0xFFFFFFFF  }
0xc1: {  	_ =	task.clear_ibuf [dreg:s7], $0x2FFFF;
	_ =	strace $0x9FFFFFFF  }
0xc2: {  	(tm) =	ssettm $0x7FFFFFFF  }
0xc3: {  	_ =	shalt  }
tec
execute0_lowered:
.L_overlay_start_1:
0x0: {  	(tag) =	ssettag $0x1  }
0x1: {  	s0 =	srdreg.scid;
	s1 =	stileid.u32  }
0x2: {  	s0 =	sand.u32 $0x1, s0;
	s1 =	sshll.u32 s1, $0x1  }
0x3: {  	s1 =	sor.u32 s0, s1  }
0x4: {  	s2 =	rddreg [dreg:$0x0];
	s3 =	smul.u32 $0x1F400, s1  }
0x5: {  	s4 =	rddreg [dreg:$0x1];
	s10 =	simm.s32 $0x0  }
0x6: {  	s5 =	sadd.s32 $0x400, s4;
	s8 =	sadd.s32 $0x7D800, s4;
	s3 =	sshrl.u32 s3, $0x3  }
0x7: {  	s0 =	ssub.s32 $0x2, s0;
	s1 =	simm.s32 $0x0;
	s7 =	sadd.s32 $0x640, s3  }
0x8: {  	s6 =	sshrl.u32 s0, $0x1;
	[smem:$0x7FF] =	sst s1;
	s11 =	sadd.s32 s2, s7  }
0x9: {  	s6 =	ssub.s32 s0, s6;
	s12 =	sadd.s32 s5, s7;
	[dreg:$0x3] =	wrdreg s11  }
0xa: {  	s14 =	sadd.s32 $0xC80, s3;
	s13 =	sadd.s32 s8, s7;
	[dreg:$0x4] =	wrdreg s12  }
0xb: {  	s17 =	sadd.s32 $0x12C0, s3;
	s15 =	sadd.s32 s2, s14;
	[dreg:$0x5] =	wrdreg s13  }
0xc: {  	s19 =	sadd.s32 $0x1900, s3;
	s16 =	sadd.s32 s5, s14;
	[dreg:$0x6] =	wrdreg s15  }
0xd: {  	s22 =	sadd.s32 $0x1F40, s3;
	s0 =	sadd.s32 s8, s14;
	[dreg:$0x7] =	wrdreg s16  }
0xe: {  	s24 =	sadd.s32 $0x2580, s3;
	s18 =	sadd.s32 s2, s17;
	[dreg:$0x8] =	wrdreg s0  }
0xf: {  	s25 =	sadd.s32 $0x2BC0, s3;
	s9 =	sadd.s32 s5, s17;
	[dreg:$0x9] =	wrdreg s18  }
0x10: {  	s26 =	sadd.s32 $0x3200, s3;
	s7 =	sadd.s32 s8, s17;
	[dreg:$0xa] =	wrdreg s9  }
0x11: {  	s20 =	sadd.s32 s2, s19;
	s21 =	sadd.s32 s5, s19;
	[dreg:$0xb] =	wrdreg s7  }
0x12: {  	s23 =	sadd.s32 s2, s22;
	s17 =	sadd.s32 s2, s24;
	[dreg:$0xc] =	wrdreg s20  }
0x13: {  	s28 =	sadd.s32 s2, s26;
	s29 =	sadd.s32 s5, s26;
	[dreg:$0xd] =	wrdreg s21  }
0x14: {  	s30 =	sadd.s32 s8, s26;
	s0 =	sadd.s32 s8, s19;
	[dreg:$0xf] =	wrdreg s23  }
0x15: {  	s15 =	sadd.s32 s5, s22;
	s16 =	sadd.s32 s8, s22;
	s18 =	sadd.s32 s5, s24  }
0x16: {  	s19 =	sadd.s32 s8, s24;
	s20 =	sadd.s32 s2, s25;
	s21 =	sadd.s32 s5, s25  }
0x17: {  	s22 =	sadd.s32 s8, s25;
	s23 =	sadd.s32 s2, s3;
	s24 =	sadd.s32 s5, s3  }
0x18: {  	s25 =	sadd.s32 s8, s3;
	s3 =	sadd.s32 $0x3840, s3;
	s7 =	simm.s32 $0x100  }
0x19: {  	s9 =	simm.s32 $0x6500;
	[dreg:$0xe] =	wrdreg s0;
	s31 =	sadd.s32 s2, s3  }
0x1a: {  	s26 =	sadd.s32 s5, s3;
	s0 =	sadd.s32 s8, s3;
	s2 =	sadd.s32 $0x7D400, s4  }
0x1b: {  	s3 =	sadd.s32 $0x7D600, s4;
	s4 =	smax.u32 s6, $0x1;
	s5 =	simm.s32 $0x1  }
0x1c: {  	s6 =	simm.s32 $0x80;
	s8 =	simm.s32 $0x3300;
	_ =	strace $0x80000047  }
.LBB2_1:
0x1d: {  	[tilespmem:s1], [sflag:$0x1] =	stream.linear.gather [hbm4b:s2+s1], $0x80, $0x38;
	[tilespmem:$0x9700] =	vst v63  }
0x1e: {  	_ =	swait.ge [sflag:s5], $0x80  }
0x1f: {  	[sflag:s5] =	ssyncset.done $0x0  }
0x20: {  	[sflag:s5] =	ssyncadd.s32 $0xFFFFFF80  }
0x21: {  	[tilespmem:s6], [sflag:$0x1] =	stream.linear.gather [hbm4b:s3+s1], $0x80, $0x38;
	[tilespmem:$0x9700] =	vst v63  }
0x22: {  	_ =	swait.ge [sflag:s5], $0x80  }
0x23: {  	[sflag:s5] =	ssyncset.done $0x0  }
0x24: {  	[sflag:s5] =	ssyncadd.s32 $0xFFFFFF80  }
0x25: {  	[tilespmem:s7], [sflag:$0x1] =	stream.linear.gather [hbm4b:s23+s1], $0x3200, $0x38;
	[tilespmem:$0x9700] =	vst v63  }
0x26: {  	_ =	swait.ge [sflag:s5], $0x3200  }
0x27: {  	[sflag:s5] =	ssyncset.done $0x0  }
0x28: {  	[sflag:s5] =	ssyncadd.s32 $0xFFFFCE00  }
0x29: {  	[tilespmem:s8], [sflag:$0x1] =	stream.linear.gather [hbm4b:s24+s1], $0x3200, $0x38;
	[tilespmem:$0x9700] =	vst v63  }
0x2a: {  	_ =	swait.ge [sflag:s5], $0x3200  }
0x2b: {  	[sflag:s5] =	ssyncset.done $0x0  }
0x2c: {  	s11 =	simm.s32 $0x140;
	[sflag:s5] =	ssyncadd.s32 $0xFFFFCE00  }
0x2d: {  	v0 =	vld [tilespmem:s11+$0x30]  }
0x2e: {  	v1 =	vld [tilespmem:s11+$0xFFFFFFD0]  }
0x2f: {  	v2 =	vld [tilespmem:s11+$0xFFFFFFE0]  }
0x30: {  	v4 =	vld [tilespmem:s11+$0xFFFFFFF0]  }
0x31: {  	v6 =	vld [tilespmem:s11+$0x0]  }
0x32: {  	v9 =	vld [tilespmem:s11+$0x10]  }
0x33: {  	v11 =	vld [tilespmem:s11+$0x20]  }
0x34: {  	v3 =	vld [tilespmem:s11+$0xFFFFFFC0];
	s11 =	simm.s32 $0x3340  }
0x35: {  	v7 =	vld [tilespmem:s11+$0x30]  }
0x36: {  	v18 =	vld [tilespmem:s11+$0xFFFFFFC0]  }
0x37: {  	v19 =	vld [tilespmem:s11+$0xFFFFFFD0]  }
0x38: {  	v20 =	vld [tilespmem:s11+$0xFFFFFFE0]  }
0x39: {  	v21 =	vld [tilespmem:s11+$0xFFFFFFF0]  }
0x3a: {  	v22 =	vld [tilespmem:s11+$0x0]  }
0x3b: {  	v23 =	vld [tilespmem:s11+$0x10]  }
0x3c: {  	v24 =	vld [tilespmem:s11+$0x20]  }
0x3d: {  	v5 =	vld.idx.msk [tilespmem:v0+s6+$0x0], $0xffff  }
0x3e: {  	v0 =	vld.idx.msk [tilespmem:v0+s1+$0x0], $0xffff  }
0x3f: {  	v8 =	vld.idx.msk [tilespmem:v1+s6+$0x0], $0xffff  }
0x40: {  	v12 =	vld.idx.msk [tilespmem:v2+s6+$0x0], $0xffff  }
0x41: {  	v13 =	vld.idx.msk [tilespmem:v4+s6+$0x0], $0xffff  }
0x42: {  	v14 =	vld.idx.msk [tilespmem:v6+s6+$0x0], $0xffff  }
0x43: {  	v15 =	vld.idx.msk [tilespmem:v3+s6+$0x0], $0xffff  }
0x44: {  	v16 =	vld.idx.msk [tilespmem:v9+s6+$0x0], $0xffff  }
0x45: {  	v17 =	vld.idx.msk [tilespmem:v11+s6+$0x0], $0xffff  }
0x46: {  	v25 =	vld.idx.msk [tilespmem:v3+s1+$0x0], $0xffff  }
0x47: {  	v10 =	vld.idx.msk [tilespmem:v1+s1+$0x0], $0xffff  }
0x48: {  	v3 =	vld.idx.msk [tilespmem:v2+s1+$0x0], $0xffff  }
0x49: {  	v9 =	vld.idx.msk [tilespmem:v9+s1+$0x0], $0xffff;
	v5 =	vmul.f32 v7, v5  }
0x4a: {  	v15 =	vmul.f32 v18, v15;
	v7 =	vld.idx.msk [tilespmem:v6+s1+$0x0], $0xffff  }
0x4b: {  	v8 =	vmul.f32 v19, v8;
	v6 =	vmul.f32 v21, v13;
	v0 =	vadd.f32 v5, v0;
	v5 =	vld.idx.msk [tilespmem:v4+s1+$0x0], $0xffff  }
0x4c: {  	s12 =	simm.s32 $0x6540;
	v11 =	vld.idx.msk [tilespmem:v11+s1+$0x0], $0xffff;
	v1 =	vmul.f32 v22, v14;
	v2 =	vmul.f32 v23, v16  }
0x4d: {  	s13 =	simm.s32 $0x0;
	s14 =	simm.s32 $0x1C0;
	v4 =	vmul.f32 v20, v12;
	v12 =	vadd.f32 v15, v25;
	[tilespmem:s12+$0x30] =	vst v0;
	v0 =	vmul.f32 v24, v17  }
.LBB2_2:
0x4e: {  	v13 =	vld [tilespmem:s14+$0x30];
	s13 =	sadd.s32 $0x80, s13;
	v8 =	vadd.f32 v8, v10  }
0x4f: {  	v3 =	vadd.f32 v4, v3;
	v10 =	vld [tilespmem:s14+$0xFFFFFFD0];
	p0 =	slt.u32 s13, $0x3180;
	[tilespmem:s12+$0xFFFFFFC0] =	vst v12  }
0x50: {  	v4 =	vadd.f32 v6, v5;
	v12 =	vld [tilespmem:s14+$0xFFFFFFE0];
	[tilespmem:s12+$0xFFFFFFD0] =	vst v8  }
0x51: {  	v1 =	vadd.f32 v1, v7;
	v5 =	vld [tilespmem:s14+$0xFFFFFFF0];
	[tilespmem:s12+$0xFFFFFFE0] =	vst v3  }
0x52: {  	v2 =	vadd.f32 v2, v9;
	v7 =	vld [tilespmem:s14+$0x0];
	[tilespmem:s12+$0xFFFFFFF0] =	vst v4  }
0x53: {  	v0 =	vadd.f32 v0, v11;
	v9 =	vld [tilespmem:s14+$0x10];
	[tilespmem:s12+$0x0] =	vst v1  }
0x54: {  	v11 =	vld [tilespmem:s14+$0x20];
	[tilespmem:s12+$0x10] =	vst v2  }
0x55: {  	v1 =	vld [tilespmem:s14+$0xFFFFFFC0];
	[tilespmem:s12+$0x20] =	vst v0  }
0x56: {  	s11 =	sadd.s32 $0x80, s11;
	v0 =	vld.idx.msk [tilespmem:v13+s6+$0x0], $0xffff  }
0x57: {  	v2 =	vld [tilespmem:s11+$0x30]  }
0x58: {  	v3 =	vld.idx.msk [tilespmem:v13+s1+$0x0], $0xffff  }
0x59: {  	v4 =	vld.idx.msk [tilespmem:v10+s6+$0x0], $0xffff  }
0x5a: {  	v6 =	vld.idx.msk [tilespmem:v12+s6+$0x0], $0xffff  }
0x5b: {  	v13 =	vld.idx.msk [tilespmem:v5+s6+$0x0], $0xffff  }
0x5c: {  	v14 =	vld.idx.msk [tilespmem:v7+s6+$0x0], $0xffff;
	v0 =	vmul.f32 v2, v0  }
0x5d: {  	v2 =	vld.idx.msk [tilespmem:v1+s6+$0x0], $0xffff  }
0x5e: {  	v15 =	vld.idx.msk [tilespmem:v9+s6+$0x0], $0xffff;
	v0 =	vadd.f32 v0, v3  }
0x5f: {  	s12 =	sadd.s32 $0x80, s12;
	v16 =	vld.idx.msk [tilespmem:v11+s6+$0x0], $0xffff  }
0x60: {  	v3 =	vld [tilespmem:s11+$0xFFFFFFC0];
	[tilespmem:s12+$0x30] =	vst v0  }
0x61: {  	v0 =	vld [tilespmem:s11+$0xFFFFFFD0]  }
0x62: {  	v17 =	vld [tilespmem:s11+$0xFFFFFFE0]  }
0x63: {  	v18 =	vld [tilespmem:s11+$0xFFFFFFF0]  }
0x64: {  	v19 =	vld [tilespmem:s11+$0x0]  }
0x65: {  	v20 =	vmul.f32 v3, v2;
	v2 =	vld [tilespmem:s11+$0x10]  }
0x66: {  	v8 =	vmul.f32 v0, v4;
	v0 =	vld [tilespmem:s11+$0x20]  }
0x67: {  	v21 =	vld.idx.msk [tilespmem:v1+s1+$0x0], $0xffff;
	v4 =	vmul.f32 v17, v6  }
0x68: {  	v10 =	vld.idx.msk [tilespmem:v10+s1+$0x0], $0xffff;
	v6 =	vmul.f32 v18, v13  }
.Ltmp0:
0x69: {  	v3 =	vld.idx.msk [tilespmem:v12+s1+$0x0], $0xffff;
	v1 =	vmul.f32 v19, v14;
	(pc) =	sbr.rel @p0 .LBB2_2-.Ltmp0, $4  }
0x6a: {  	v5 =	vld.idx.msk [tilespmem:v5+s1+$0x0], $0xffff;
	v2 =	vmul.f32 v2, v15  }
0x6b: {  	v7 =	vld.idx.msk [tilespmem:v7+s1+$0x0], $0xffff;
	v0 =	vmul.f32 v0, v16  }
0x6c: {  	v9 =	vld.idx.msk [tilespmem:v9+s1+$0x0], $0xffff  }
0x6d: {  	s14 =	sadd.s32 $0x80, s14;
	v12 =	vadd.f32 v20, v21;
	v11 =	vld.idx.msk [tilespmem:v11+s1+$0x0], $0xffff  }
0x6e: {  	v8 =	vadd.f32 v8, v10  }
0x6f: {  	v3 =	vadd.f32 v4, v3;
	[tilespmem:s12+$0xFFFFFFC0] =	vst v12  }
0x70: {  	v4 =	vadd.f32 v6, v5;
	[tilespmem:s12+$0xFFFFFFD0] =	vst v8  }
0x71: {  	[tilespmem:s12+$0xFFFFFFE0] =	vst v3;
	v1 =	vadd.f32 v1, v7  }
0x72: {  	[tilespmem:s12+$0xFFFFFFF0] =	vst v4;
	v2 =	vadd.f32 v2, v9  }
0x73: {  	[tilespmem:s12+$0x0] =	vst v1;
	v0 =	vadd.f32 v0, v11  }
0x74: {  	[tilespmem:s12+$0x10] =	vst v2  }
0x75: {  	[tilespmem:s12+$0x20] =	vst v0  }
0x76: {  	[hbm4b:s25+s1] =	stream.linear.scatter [tilespmem:s9], [sflag:$0x1], $0x3200, $0x38;
	[tilespmem:$0x9700] =	vst v63  }
0x77: {  	_ =	swait.ge [sflag:s5], $0x3200  }
0x78: {  	[sflag:s5] =	ssyncset.done $0x0  }
0x79: {  	s11 =	rddreg [dreg:$0x3];
	[sflag:s5] =	ssyncadd.s32 $0xFFFFCE00  }
0x7a: {  	[tilespmem:s7], [sflag:$0x1] =	stream.linear.gather [hbm4b:s11+s1], $0x3200, $0x38;
	[tilespmem:$0x9700] =	vst v63  }
0x7b: {  	_ =	swait.ge [sflag:s5], $0x3200  }
0x7c: {  	[sflag:s5] =	ssyncset.done $0x0  }
0x7d: {  	s13 =	rddreg [dreg:$0x4];
	[sflag:s5] =	ssyncadd.s32 $0xFFFFCE00  }
0x7e: {  	[tilespmem:s8], [sflag:$0x1] =	stream.linear.gather [hbm4b:s13+s1], $0x3200, $0x38;
	[tilespmem:$0x9700] =	vst v63  }
0x7f: {  	_ =	swait.ge [sflag:s5], $0x3200  }
0x80: {  	[sflag:s5] =	ssyncset.done $0x0  }
0x81: {  	s14 =	simm.s32 $0x140;
	[sflag:s5] =	ssyncadd.s32 $0xFFFFCE00  }
0x82: {  	v0 =	vld [tilespmem:s14+$0x30]  }
0x83: {  	v1 =	vld [tilespmem:s14+$0xFFFFFFD0]  }
0x84: {  	v2 =	vld [tilespmem:s14+$0xFFFFFFE0]  }
0x85: {  	v4 =	vld [tilespmem:s14+$0xFFFFFFF0]  }
0x86: {  	v6 =	vld [tilespmem:s14+$0x0]  }
0x87: {  	v9 =	vld [tilespmem:s14+$0x10]  }
0x88: {  	v11 =	vld [tilespmem:s14+$0x20]  }
0x89: {  	s11 =	simm.s32 $0x3340;
	v3 =	vld [tilespmem:s14+$0xFFFFFFC0]  }
0x8a: {  	v7 =	vld [tilespmem:s11+$0x30]  }
0x8b: {  	v18 =	vld [tilespmem:s11+$0xFFFFFFC0]  }
0x8c: {  	v19 =	vld [tilespmem:s11+$0xFFFFFFD0]  }
0x8d: {  	v20 =	vld [tilespmem:s11+$0xFFFFFFE0]  }
0x8e: {  	v21 =	vld [tilespmem:s11+$0xFFFFFFF0]  }
0x8f: {  	v22 =	vld [tilespmem:s11+$0x0]  }
0x90: {  	v23 =	vld [tilespmem:s11+$0x10]  }
0x91: {  	v24 =	vld [tilespmem:s11+$0x20]  }
0x92: {  	v5 =	vld.idx.msk [tilespmem:v0+s6+$0x0], $0xffff  }
0x93: {  	v0 =	vld.idx.msk [tilespmem:v0+s1+$0x0], $0xffff  }
0x94: {  	v8 =	vld.idx.msk [tilespmem:v1+s6+$0x0], $0xffff  }
0x95: {  	v12 =	vld.idx.msk [tilespmem:v2+s6+$0x0], $0xffff  }
0x96: {  	v13 =	vld.idx.msk [tilespmem:v4+s6+$0x0], $0xffff  }
0x97: {  	v14 =	vld.idx.msk [tilespmem:v6+s6+$0x0], $0xffff  }
0x98: {  	v15 =	vld.idx.msk [tilespmem:v3+s6+$0x0], $0xffff  }
0x99: {  	v16 =	vld.idx.msk [tilespmem:v9+s6+$0x0], $0xffff  }
0x9a: {  	v17 =	vld.idx.msk [tilespmem:v11+s6+$0x0], $0xffff  }
0x9b: {  	v25 =	vld.idx.msk [tilespmem:v3+s1+$0x0], $0xffff  }
0x9c: {  	v10 =	vld.idx.msk [tilespmem:v1+s1+$0x0], $0xffff  }
0x9d: {  	v3 =	vld.idx.msk [tilespmem:v2+s1+$0x0], $0xffff  }
0x9e: {  	v9 =	vld.idx.msk [tilespmem:v9+s1+$0x0], $0xffff;
	v5 =	vmul.f32 v7, v5  }
0x9f: {  	v15 =	vmul.f32 v18, v15;
	v7 =	vld.idx.msk [tilespmem:v6+s1+$0x0], $0xffff  }
0xa0: {  	v8 =	vmul.f32 v19, v8;
	v6 =	vmul.f32 v21, v13;
	v0 =	vadd.f32 v5, v0;
	v5 =	vld.idx.msk [tilespmem:v4+s1+$0x0], $0xffff  }
0xa1: {  	s12 =	simm.s32 $0x6540;
	v11 =	vld.idx.msk [tilespmem:v11+s1+$0x0], $0xffff;
	v1 =	vmul.f32 v22, v14;
	v2 =	vmul.f32 v23, v16  }
0xa2: {  	s13 =	simm.s32 $0x0;
	s14 =	simm.s32 $0x1C0;
	v4 =	vmul.f32 v20, v12;
	v12 =	vadd.f32 v15, v25;
	[tilespmem:s12+$0x30] =	vst v0;
	v0 =	vmul.f32 v24, v17  }
.LBB2_4:
0xa3: {  	v13 =	vld [tilespmem:s14+$0x30];
	s13 =	sadd.s32 $0x80, s13;
	v8 =	vadd.f32 v8, v10  }
0xa4: {  	v3 =	vadd.f32 v4, v3;
	v10 =	vld [tilespmem:s14+$0xFFFFFFD0];
	p0 =	slt.u32 s13, $0x3180;
	[tilespmem:s12+$0xFFFFFFC0] =	vst v12  }
0xa5: {  	v4 =	vadd.f32 v6, v5;
	v12 =	vld [tilespmem:s14+$0xFFFFFFE0];
	[tilespmem:s12+$0xFFFFFFD0] =	vst v8  }
0xa6: {  	v1 =	vadd.f32 v1, v7;
	v5 =	vld [tilespmem:s14+$0xFFFFFFF0];
	[tilespmem:s12+$0xFFFFFFE0] =	vst v3  }
0xa7: {  	v2 =	vadd.f32 v2, v9;
	v7 =	vld [tilespmem:s14+$0x0];
	[tilespmem:s12+$0xFFFFFFF0] =	vst v4  }
0xa8: {  	v0 =	vadd.f32 v0, v11;
	v9 =	vld [tilespmem:s14+$0x10];
	[tilespmem:s12+$0x0] =	vst v1  }
0xa9: {  	v11 =	vld [tilespmem:s14+$0x20];
	[tilespmem:s12+$0x10] =	vst v2  }
0xaa: {  	v1 =	vld [tilespmem:s14+$0xFFFFFFC0];
	[tilespmem:s12+$0x20] =	vst v0  }
0xab: {  	s11 =	sadd.s32 $0x80, s11;
	v0 =	vld.idx.msk [tilespmem:v13+s6+$0x0], $0xffff  }
0xac: {  	v2 =	vld [tilespmem:s11+$0x30]  }
0xad: {  	v3 =	vld.idx.msk [tilespmem:v13+s1+$0x0], $0xffff  }
0xae: {  	v4 =	vld.idx.msk [tilespmem:v10+s6+$0x0], $0xffff  }
0xaf: {  	v6 =	vld.idx.msk [tilespmem:v12+s6+$0x0], $0xffff  }
0xb0: {  	v13 =	vld.idx.msk [tilespmem:v5+s6+$0x0], $0xffff  }
0xb1: {  	v14 =	vld.idx.msk [tilespmem:v7+s6+$0x0], $0xffff;
	v0 =	vmul.f32 v2, v0  }
0xb2: {  	v2 =	vld.idx.msk [tilespmem:v1+s6+$0x0], $0xffff  }
0xb3: {  	v15 =	vld.idx.msk [tilespmem:v9+s6+$0x0], $0xffff;
	v0 =	vadd.f32 v0, v3  }
0xb4: {  	s12 =	sadd.s32 $0x80, s12;
	v16 =	vld.idx.msk [tilespmem:v11+s6+$0x0], $0xffff  }
0xb5: {  	v3 =	vld [tilespmem:s11+$0xFFFFFFC0];
	[tilespmem:s12+$0x30] =	vst v0  }
0xb6: {  	v0 =	vld [tilespmem:s11+$0xFFFFFFD0]  }
0xb7: {  	v17 =	vld [tilespmem:s11+$0xFFFFFFE0]  }
0xb8: {  	v18 =	vld [tilespmem:s11+$0xFFFFFFF0]  }
0xb9: {  	v19 =	vld [tilespmem:s11+$0x0]  }
0xba: {  	v20 =	vmul.f32 v3, v2;
	v2 =	vld [tilespmem:s11+$0x10]  }
0xbb: {  	v8 =	vmul.f32 v0, v4;
	v0 =	vld [tilespmem:s11+$0x20]  }
0xbc: {  	v21 =	vld.idx.msk [tilespmem:v1+s1+$0x0], $0xffff;
	v4 =	vmul.f32 v17, v6  }
0xbd: {  	v10 =	vld.idx.msk [tilespmem:v10+s1+$0x0], $0xffff;
	v6 =	vmul.f32 v18, v13  }
.Ltmp1:
0xbe: {  	v3 =	vld.idx.msk [tilespmem:v12+s1+$0x0], $0xffff;
	v1 =	vmul.f32 v19, v14;
	(pc) =	sbr.rel @p0 .LBB2_4-.Ltmp1, $4  }
0xbf: {  	v5 =	vld.idx.msk [tilespmem:v5+s1+$0x0], $0xffff;
	v2 =	vmul.f32 v2, v15  }
0xc0: {  	v7 =	vld.idx.msk [tilespmem:v7+s1+$0x0], $0xffff;
	v0 =	vmul.f32 v0, v16  }
0xc1: {  	v9 =	vld.idx.msk [tilespmem:v9+s1+$0x0], $0xffff  }
0xc2: {  	s14 =	sadd.s32 $0x80, s14;
	v12 =	vadd.f32 v20, v21;
	v11 =	vld.idx.msk [tilespmem:v11+s1+$0x0], $0xffff  }
0xc3: {  	v8 =	vadd.f32 v8, v10  }
0xc4: {  	v3 =	vadd.f32 v4, v3;
	[tilespmem:s12+$0xFFFFFFC0] =	vst v12  }
0xc5: {  	v4 =	vadd.f32 v6, v5;
	[tilespmem:s12+$0xFFFFFFD0] =	vst v8  }
0xc6: {  	[tilespmem:s12+$0xFFFFFFE0] =	vst v3;
	v1 =	vadd.f32 v1, v7  }
0xc7: {  	[tilespmem:s12+$0xFFFFFFF0] =	vst v4;
	v2 =	vadd.f32 v2, v9  }
0xc8: {  	[tilespmem:s12+$0x0] =	vst v1;
	v0 =	vadd.f32 v0, v11  }
0xc9: {  	[tilespmem:s12+$0x10] =	vst v2  }
0xca: {  	[tilespmem:s12+$0x20] =	vst v0  }
0xcb: {  	s11 =	rddreg [dreg:$0x5]  }
0xcc: {  	[hbm4b:s11+s1] =	stream.linear.scatter [tilespmem:s9], [sflag:$0x1], $0x3200, $0x38;
	[tilespmem:$0x9700] =	vst v63  }
0xcd: {  	_ =	swait.ge [sflag:s5], $0x3200  }
0xce: {  	[sflag:s5] =	ssyncset.done $0x0  }
0xcf: {  	s12 =	rddreg [dreg:$0x6];
	[sflag:s5] =	ssyncadd.s32 $0xFFFFCE00  }
0xd0: {  	[tilespmem:s7], [sflag:$0x1] =	stream.linear.gather [hbm4b:s12+s1], $0x3200, $0x38;
	[tilespmem:$0x9700] =	vst v63  }
0xd1: {  	_ =	swait.ge [sflag:s5], $0x3200  }
0xd2: {  	[sflag:s5] =	ssyncset.done $0x0  }
0xd3: {  	s13 =	rddreg [dreg:$0x7];
	[sflag:s5] =	ssyncadd.s32 $0xFFFFCE00  }
0xd4: {  	[tilespmem:s8], [sflag:$0x1] =	stream.linear.gather [hbm4b:s13+s1], $0x3200, $0x38;
	[tilespmem:$0x9700] =	vst v63  }
0xd5: {  	_ =	swait.ge [sflag:s5], $0x3200  }
0xd6: {  	[sflag:s5] =	ssyncset.done $0x0  }
0xd7: {  	s14 =	simm.s32 $0x140;
	[sflag:s5] =	ssyncadd.s32 $0xFFFFCE00  }
0xd8: {  	v0 =	vld [tilespmem:s14+$0x30]  }
0xd9: {  	v1 =	vld [tilespmem:s14+$0xFFFFFFD0]  }
0xda: {  	v2 =	vld [tilespmem:s14+$0xFFFFFFE0]  }
0xdb: {  	v4 =	vld [tilespmem:s14+$0xFFFFFFF0]  }
0xdc: {  	v6 =	vld [tilespmem:s14+$0x0]  }
0xdd: {  	v9 =	vld [tilespmem:s14+$0x10]  }
0xde: {  	v11 =	vld [tilespmem:s14+$0x20]  }
0xdf: {  	s11 =	simm.s32 $0x3340;
	v3 =	vld [tilespmem:s14+$0xFFFFFFC0]  }
0xe0: {  	v7 =	vld [tilespmem:s11+$0x30]  }
0xe1: {  	v18 =	vld [tilespmem:s11+$0xFFFFFFC0]  }
0xe2: {  	v19 =	vld [tilespmem:s11+$0xFFFFFFD0]  }
0xe3: {  	v20 =	vld [tilespmem:s11+$0xFFFFFFE0]  }
0xe4: {  	v21 =	vld [tilespmem:s11+$0xFFFFFFF0]  }
0xe5: {  	v22 =	vld [tilespmem:s11+$0x0]  }
0xe6: {  	v23 =	vld [tilespmem:s11+$0x10]  }
0xe7: {  	v24 =	vld [tilespmem:s11+$0x20]  }
0xe8: {  	v5 =	vld.idx.msk [tilespmem:v0+s6+$0x0], $0xffff  }
0xe9: {  	v0 =	vld.idx.msk [tilespmem:v0+s1+$0x0], $0xffff  }
0xea: {  	v8 =	vld.idx.msk [tilespmem:v1+s6+$0x0], $0xffff  }
0xeb: {  	v12 =	vld.idx.msk [tilespmem:v2+s6+$0x0], $0xffff  }
0xec: {  	v13 =	vld.idx.msk [tilespmem:v4+s6+$0x0], $0xffff  }
0xed: {  	v14 =	vld.idx.msk [tilespmem:v6+s6+$0x0], $0xffff  }
0xee: {  	v15 =	vld.idx.msk [tilespmem:v3+s6+$0x0], $0xffff  }
0xef: {  	v16 =	vld.idx.msk [tilespmem:v9+s6+$0x0], $0xffff  }
0xf0: {  	v17 =	vld.idx.msk [tilespmem:v11+s6+$0x0], $0xffff  }
0xf1: {  	v25 =	vld.idx.msk [tilespmem:v3+s1+$0x0], $0xffff  }
0xf2: {  	v10 =	vld.idx.msk [tilespmem:v1+s1+$0x0], $0xffff  }
0xf3: {  	v3 =	vld.idx.msk [tilespmem:v2+s1+$0x0], $0xffff  }
0xf4: {  	v9 =	vld.idx.msk [tilespmem:v9+s1+$0x0], $0xffff;
	v5 =	vmul.f32 v7, v5  }
0xf5: {  	v15 =	vmul.f32 v18, v15;
	v7 =	vld.idx.msk [tilespmem:v6+s1+$0x0], $0xffff  }
0xf6: {  	v8 =	vmul.f32 v19, v8;
	v6 =	vmul.f32 v21, v13;
	v0 =	vadd.f32 v5, v0;
	v5 =	vld.idx.msk [tilespmem:v4+s1+$0x0], $0xffff  }
0xf7: {  	s12 =	simm.s32 $0x6540;
	v11 =	vld.idx.msk [tilespmem:v11+s1+$0x0], $0xffff;
	v1 =	vmul.f32 v22, v14;
	v2 =	vmul.f32 v23, v16  }
0xf8: {  	s13 =	simm.s32 $0x0;
	s14 =	simm.s32 $0x1C0;
	v4 =	vmul.f32 v20, v12;
	v12 =	vadd.f32 v15, v25;
	[tilespmem:s12+$0x30] =	vst v0;
	v0 =	vmul.f32 v24, v17  }
.LBB2_6:
0xf9: {  	v13 =	vld [tilespmem:s14+$0x30];
	s13 =	sadd.s32 $0x80, s13;
	v8 =	vadd.f32 v8, v10  }
0xfa: {  	v3 =	vadd.f32 v4, v3;
	v10 =	vld [tilespmem:s14+$0xFFFFFFD0];
	p0 =	slt.u32 s13, $0x3180;
	[tilespmem:s12+$0xFFFFFFC0] =	vst v12  }
0xfb: {  	v4 =	vadd.f32 v6, v5;
	v12 =	vld [tilespmem:s14+$0xFFFFFFE0];
	[tilespmem:s12+$0xFFFFFFD0] =	vst v8  }
0xfc: {  	v1 =	vadd.f32 v1, v7;
	v5 =	vld [tilespmem:s14+$0xFFFFFFF0];
	[tilespmem:s12+$0xFFFFFFE0] =	vst v3  }
0xfd: {  	v2 =	vadd.f32 v2, v9;
	v7 =	vld [tilespmem:s14+$0x0];
	[tilespmem:s12+$0xFFFFFFF0] =	vst v4  }
0xfe: {  	v0 =	vadd.f32 v0, v11;
	v9 =	vld [tilespmem:s14+$0x10];
	[tilespmem:s12+$0x0] =	vst v1  }
0xff: {  	v11 =	vld [tilespmem:s14+$0x20];
	[tilespmem:s12+$0x10] =	vst v2  }
0x100: {  	v1 =	vld [tilespmem:s14+$0xFFFFFFC0];
	[tilespmem:s12+$0x20] =	vst v0  }
0x101: {  	s11 =	sadd.s32 $0x80, s11;
	v0 =	vld.idx.msk [tilespmem:v13+s6+$0x0], $0xffff  }
0x102: {  	v2 =	vld [tilespmem:s11+$0x30]  }
0x103: {  	v3 =	vld.idx.msk [tilespmem:v13+s1+$0x0], $0xffff  }
0x104: {  	v4 =	vld.idx.msk [tilespmem:v10+s6+$0x0], $0xffff  }
0x105: {  	v6 =	vld.idx.msk [tilespmem:v12+s6+$0x0], $0xffff  }
0x106: {  	v13 =	vld.idx.msk [tilespmem:v5+s6+$0x0], $0xffff  }
0x107: {  	v14 =	vld.idx.msk [tilespmem:v7+s6+$0x0], $0xffff;
	v0 =	vmul.f32 v2, v0  }
0x108: {  	v2 =	vld.idx.msk [tilespmem:v1+s6+$0x0], $0xffff  }
0x109: {  	v15 =	vld.idx.msk [tilespmem:v9+s6+$0x0], $0xffff;
	v0 =	vadd.f32 v0, v3  }
0x10a: {  	s12 =	sadd.s32 $0x80, s12;
	v16 =	vld.idx.msk [tilespmem:v11+s6+$0x0], $0xffff  }
0x10b: {  	v3 =	vld [tilespmem:s11+$0xFFFFFFC0];
	[tilespmem:s12+$0x30] =	vst v0  }
0x10c: {  	v0 =	vld [tilespmem:s11+$0xFFFFFFD0]  }
0x10d: {  	v17 =	vld [tilespmem:s11+$0xFFFFFFE0]  }
0x10e: {  	v18 =	vld [tilespmem:s11+$0xFFFFFFF0]  }
0x10f: {  	v19 =	vld [tilespmem:s11+$0x0]  }
0x110: {  	v20 =	vmul.f32 v3, v2;
	v2 =	vld [tilespmem:s11+$0x10]  }
0x111: {  	v8 =	vmul.f32 v0, v4;
	v0 =	vld [tilespmem:s11+$0x20]  }
0x112: {  	v21 =	vld.idx.msk [tilespmem:v1+s1+$0x0], $0xffff;
	v4 =	vmul.f32 v17, v6  }
0x113: {  	v10 =	vld.idx.msk [tilespmem:v10+s1+$0x0], $0xffff;
	v6 =	vmul.f32 v18, v13  }
.Ltmp2:
0x114: {  	v3 =	vld.idx.msk [tilespmem:v12+s1+$0x0], $0xffff;
	v1 =	vmul.f32 v19, v14;
	(pc) =	sbr.rel @p0 .LBB2_6-.Ltmp2, $4  }
0x115: {  	v5 =	vld.idx.msk [tilespmem:v5+s1+$0x0], $0xffff;
	v2 =	vmul.f32 v2, v15  }
0x116: {  	v7 =	vld.idx.msk [tilespmem:v7+s1+$0x0], $0xffff;
	v0 =	vmul.f32 v0, v16  }
0x117: {  	v9 =	vld.idx.msk [tilespmem:v9+s1+$0x0], $0xffff  }
0x118: {  	s14 =	sadd.s32 $0x80, s14;
	v12 =	vadd.f32 v20, v21;
	v11 =	vld.idx.msk [tilespmem:v11+s1+$0x0], $0xffff  }
0x119: {  	v8 =	vadd.f32 v8, v10  }
0x11a: {  	v3 =	vadd.f32 v4, v3;
	[tilespmem:s12+$0xFFFFFFC0] =	vst v12  }
0x11b: {  	v4 =	vadd.f32 v6, v5;
	[tilespmem:s12+$0xFFFFFFD0] =	vst v8  }
0x11c: {  	[tilespmem:s12+$0xFFFFFFE0] =	vst v3;
	v1 =	vadd.f32 v1, v7  }
0x11d: {  	[tilespmem:s12+$0xFFFFFFF0] =	vst v4;
	v2 =	vadd.f32 v2, v9  }
0x11e: {  	[tilespmem:s12+$0x0] =	vst v1;
	v0 =	vadd.f32 v0, v11  }
0x11f: {  	[tilespmem:s12+$0x10] =	vst v2  }
0x120: {  	[tilespmem:s12+$0x20] =	vst v0  }
0x121: {  	s11 =	rddreg [dreg:$0x8]  }
0x122: {  	[hbm4b:s11+s1] =	stream.linear.scatter [tilespmem:s9], [sflag:$0x1], $0x3200, $0x38;
	[tilespmem:$0x9700] =	vst v63  }
0x123: {  	_ =	swait.ge [sflag:s5], $0x3200  }
0x124: {  	[sflag:s5] =	ssyncset.done $0x0  }
0x125: {  	s12 =	rddreg [dreg:$0x9];
	[sflag:s5] =	ssyncadd.s32 $0xFFFFCE00  }
0x126: {  	[tilespmem:s7], [sflag:$0x1] =	stream.linear.gather [hbm4b:s12+s1], $0x3200, $0x38;
	[tilespmem:$0x9700] =	vst v63  }
0x127: {  	_ =	swait.ge [sflag:s5], $0x3200  }
0x128: {  	[sflag:s5] =	ssyncset.done $0x0  }
0x129: {  	s13 =	rddreg [dreg:$0xa];
	[sflag:s5] =	ssyncadd.s32 $0xFFFFCE00  }
0x12a: {  	[tilespmem:s8], [sflag:$0x1] =	stream.linear.gather [hbm4b:s13+s1], $0x3200, $0x38;
	[tilespmem:$0x9700] =	vst v63  }
0x12b: {  	_ =	swait.ge [sflag:s5], $0x3200  }
0x12c: {  	[sflag:s5] =	ssyncset.done $0x0  }
0x12d: {  	s14 =	simm.s32 $0x140;
	[sflag:s5] =	ssyncadd.s32 $0xFFFFCE00  }
0x12e: {  	v0 =	vld [tilespmem:s14+$0x30]  }
0x12f: {  	v1 =	vld [tilespmem:s14+$0xFFFFFFD0]  }
0x130: {  	v2 =	vld [tilespmem:s14+$0xFFFFFFE0]  }
0x131: {  	v4 =	vld [tilespmem:s14+$0xFFFFFFF0]  }
0x132: {  	v6 =	vld [tilespmem:s14+$0x0]  }
0x133: {  	v9 =	vld [tilespmem:s14+$0x10]  }
0x134: {  	v11 =	vld [tilespmem:s14+$0x20]  }
0x135: {  	s11 =	simm.s32 $0x3340;
	v3 =	vld [tilespmem:s14+$0xFFFFFFC0]  }
0x136: {  	v7 =	vld [tilespmem:s11+$0x30]  }
0x137: {  	v18 =	vld [tilespmem:s11+$0xFFFFFFC0]  }
0x138: {  	v19 =	vld [tilespmem:s11+$0xFFFFFFD0]  }
0x139: {  	v20 =	vld [tilespmem:s11+$0xFFFFFFE0]  }
0x13a: {  	v21 =	vld [tilespmem:s11+$0xFFFFFFF0]  }
0x13b: {  	v22 =	vld [tilespmem:s11+$0x0]  }
0x13c: {  	v23 =	vld [tilespmem:s11+$0x10]  }
0x13d: {  	v24 =	vld [tilespmem:s11+$0x20]  }
0x13e: {  	v5 =	vld.idx.msk [tilespmem:v0+s6+$0x0], $0xffff  }
0x13f: {  	v0 =	vld.idx.msk [tilespmem:v0+s1+$0x0], $0xffff  }
0x140: {  	v8 =	vld.idx.msk [tilespmem:v1+s6+$0x0], $0xffff  }
0x141: {  	v12 =	vld.idx.msk [tilespmem:v2+s6+$0x0], $0xffff  }
0x142: {  	v13 =	vld.idx.msk [tilespmem:v4+s6+$0x0], $0xffff  }
0x143: {  	v14 =	vld.idx.msk [tilespmem:v6+s6+$0x0], $0xffff  }
0x144: {  	v15 =	vld.idx.msk [tilespmem:v3+s6+$0x0], $0xffff  }
0x145: {  	v16 =	vld.idx.msk [tilespmem:v9+s6+$0x0], $0xffff  }
0x146: {  	v17 =	vld.idx.msk [tilespmem:v11+s6+$0x0], $0xffff  }
0x147: {  	v25 =	vld.idx.msk [tilespmem:v3+s1+$0x0], $0xffff  }
0x148: {  	v10 =	vld.idx.msk [tilespmem:v1+s1+$0x0], $0xffff  }
0x149: {  	v3 =	vld.idx.msk [tilespmem:v2+s1+$0x0], $0xffff  }
0x14a: {  	v9 =	vld.idx.msk [tilespmem:v9+s1+$0x0], $0xffff;
	v5 =	vmul.f32 v7, v5  }
0x14b: {  	v15 =	vmul.f32 v18, v15;
	v7 =	vld.idx.msk [tilespmem:v6+s1+$0x0], $0xffff  }
0x14c: {  	v8 =	vmul.f32 v19, v8;
	v6 =	vmul.f32 v21, v13;
	v0 =	vadd.f32 v5, v0;
	v5 =	vld.idx.msk [tilespmem:v4+s1+$0x0], $0xffff  }
0x14d: {  	s12 =	simm.s32 $0x6540;
	v11 =	vld.idx.msk [tilespmem:v11+s1+$0x0], $0xffff;
	v1 =	vmul.f32 v22, v14;
	v2 =	vmul.f32 v23, v16  }
0x14e: {  	s13 =	simm.s32 $0x0;
	s14 =	simm.s32 $0x1C0;
	v4 =	vmul.f32 v20, v12;
	v12 =	vadd.f32 v15, v25;
	[tilespmem:s12+$0x30] =	vst v0;
	v0 =	vmul.f32 v24, v17  }
.LBB2_8:
0x14f: {  	v13 =	vld [tilespmem:s14+$0x30];
	s13 =	sadd.s32 $0x80, s13;
	v8 =	vadd.f32 v8, v10  }
0x150: {  	v3 =	vadd.f32 v4, v3;
	v10 =	vld [tilespmem:s14+$0xFFFFFFD0];
	p0 =	slt.u32 s13, $0x3180;
	[tilespmem:s12+$0xFFFFFFC0] =	vst v12  }
0x151: {  	v4 =	vadd.f32 v6, v5;
	v12 =	vld [tilespmem:s14+$0xFFFFFFE0];
	[tilespmem:s12+$0xFFFFFFD0] =	vst v8  }
0x152: {  	v1 =	vadd.f32 v1, v7;
	v5 =	vld [tilespmem:s14+$0xFFFFFFF0];
	[tilespmem:s12+$0xFFFFFFE0] =	vst v3  }
0x153: {  	v2 =	vadd.f32 v2, v9;
	v7 =	vld [tilespmem:s14+$0x0];
	[tilespmem:s12+$0xFFFFFFF0] =	vst v4  }
0x154: {  	v0 =	vadd.f32 v0, v11;
	v9 =	vld [tilespmem:s14+$0x10];
	[tilespmem:s12+$0x0] =	vst v1  }
0x155: {  	v11 =	vld [tilespmem:s14+$0x20];
	[tilespmem:s12+$0x10] =	vst v2  }
0x156: {  	v1 =	vld [tilespmem:s14+$0xFFFFFFC0];
	[tilespmem:s12+$0x20] =	vst v0  }
0x157: {  	s11 =	sadd.s32 $0x80, s11;
	v0 =	vld.idx.msk [tilespmem:v13+s6+$0x0], $0xffff  }
0x158: {  	v2 =	vld [tilespmem:s11+$0x30]  }
0x159: {  	v3 =	vld.idx.msk [tilespmem:v13+s1+$0x0], $0xffff  }
0x15a: {  	v4 =	vld.idx.msk [tilespmem:v10+s6+$0x0], $0xffff  }
0x15b: {  	v6 =	vld.idx.msk [tilespmem:v12+s6+$0x0], $0xffff  }
0x15c: {  	v13 =	vld.idx.msk [tilespmem:v5+s6+$0x0], $0xffff  }
0x15d: {  	v14 =	vld.idx.msk [tilespmem:v7+s6+$0x0], $0xffff;
	v0 =	vmul.f32 v2, v0  }
0x15e: {  	v2 =	vld.idx.msk [tilespmem:v1+s6+$0x0], $0xffff  }
0x15f: {  	v15 =	vld.idx.msk [tilespmem:v9+s6+$0x0], $0xffff;
	v0 =	vadd.f32 v0, v3  }
0x160: {  	s12 =	sadd.s32 $0x80, s12;
	v16 =	vld.idx.msk [tilespmem:v11+s6+$0x0], $0xffff  }
0x161: {  	v3 =	vld [tilespmem:s11+$0xFFFFFFC0];
	[tilespmem:s12+$0x30] =	vst v0  }
0x162: {  	v0 =	vld [tilespmem:s11+$0xFFFFFFD0]  }
0x163: {  	v17 =	vld [tilespmem:s11+$0xFFFFFFE0]  }
0x164: {  	v18 =	vld [tilespmem:s11+$0xFFFFFFF0]  }
0x165: {  	v19 =	vld [tilespmem:s11+$0x0]  }
0x166: {  	v20 =	vmul.f32 v3, v2;
	v2 =	vld [tilespmem:s11+$0x10]  }
0x167: {  	v8 =	vmul.f32 v0, v4;
	v0 =	vld [tilespmem:s11+$0x20]  }
0x168: {  	v21 =	vld.idx.msk [tilespmem:v1+s1+$0x0], $0xffff;
	v4 =	vmul.f32 v17, v6  }
0x169: {  	v10 =	vld.idx.msk [tilespmem:v10+s1+$0x0], $0xffff;
	v6 =	vmul.f32 v18, v13  }
.Ltmp3:
0x16a: {  	v3 =	vld.idx.msk [tilespmem:v12+s1+$0x0], $0xffff;
	v1 =	vmul.f32 v19, v14;
	(pc) =	sbr.rel @p0 .LBB2_8-.Ltmp3, $4  }
0x16b: {  	v5 =	vld.idx.msk [tilespmem:v5+s1+$0x0], $0xffff;
	v2 =	vmul.f32 v2, v15  }
0x16c: {  	v7 =	vld.idx.msk [tilespmem:v7+s1+$0x0], $0xffff;
	v0 =	vmul.f32 v0, v16  }
0x16d: {  	v9 =	vld.idx.msk [tilespmem:v9+s1+$0x0], $0xffff  }
0x16e: {  	s14 =	sadd.s32 $0x80, s14;
	v12 =	vadd.f32 v20, v21;
	v11 =	vld.idx.msk [tilespmem:v11+s1+$0x0], $0xffff  }
0x16f: {  	v8 =	vadd.f32 v8, v10  }
0x170: {  	v3 =	vadd.f32 v4, v3;
	[tilespmem:s12+$0xFFFFFFC0] =	vst v12  }
0x171: {  	v4 =	vadd.f32 v6, v5;
	[tilespmem:s12+$0xFFFFFFD0] =	vst v8  }
0x172: {  	[tilespmem:s12+$0xFFFFFFE0] =	vst v3;
	v1 =	vadd.f32 v1, v7  }
0x173: {  	[tilespmem:s12+$0xFFFFFFF0] =	vst v4;
	v2 =	vadd.f32 v2, v9  }
0x174: {  	[tilespmem:s12+$0x0] =	vst v1;
	v0 =	vadd.f32 v0, v11  }
0x175: {  	[tilespmem:s12+$0x10] =	vst v2  }
0x176: {  	[tilespmem:s12+$0x20] =	vst v0  }
0x177: {  	s11 =	rddreg [dreg:$0xb]  }
0x178: {  	[hbm4b:s11+s1] =	stream.linear.scatter [tilespmem:s9], [sflag:$0x1], $0x3200, $0x38;
	[tilespmem:$0x9700] =	vst v63  }
0x179: {  	_ =	swait.ge [sflag:s5], $0x3200  }
0x17a: {  	[sflag:s5] =	ssyncset.done $0x0  }
0x17b: {  	s12 =	rddreg [dreg:$0xc];
	[sflag:s5] =	ssyncadd.s32 $0xFFFFCE00  }
0x17c: {  	[tilespmem:s7], [sflag:$0x1] =	stream.linear.gather [hbm4b:s12+s1], $0x3200, $0x38;
	[tilespmem:$0x9700] =	vst v63  }
0x17d: {  	_ =	swait.ge [sflag:s5], $0x3200  }
0x17e: {  	[sflag:s5] =	ssyncset.done $0x0  }
0x17f: {  	s13 =	rddreg [dreg:$0xd];
	[sflag:s5] =	ssyncadd.s32 $0xFFFFCE00  }
0x180: {  	[tilespmem:s8], [sflag:$0x1] =	stream.linear.gather [hbm4b:s13+s1], $0x3200, $0x38;
	[tilespmem:$0x9700] =	vst v63  }
0x181: {  	_ =	swait.ge [sflag:s5], $0x3200  }
0x182: {  	[sflag:s5] =	ssyncset.done $0x0  }
0x183: {  	s14 =	simm.s32 $0x140;
	[sflag:s5] =	ssyncadd.s32 $0xFFFFCE00  }
0x184: {  	v0 =	vld [tilespmem:s14+$0x30]  }
0x185: {  	v1 =	vld [tilespmem:s14+$0xFFFFFFD0]  }
0x186: {  	v2 =	vld [tilespmem:s14+$0xFFFFFFE0]  }
0x187: {  	v4 =	vld [tilespmem:s14+$0xFFFFFFF0]  }
0x188: {  	v6 =	vld [tilespmem:s14+$0x0]  }
0x189: {  	v9 =	vld [tilespmem:s14+$0x10]  }
0x18a: {  	v11 =	vld [tilespmem:s14+$0x20]  }
0x18b: {  	s11 =	simm.s32 $0x3340;
	v3 =	vld [tilespmem:s14+$0xFFFFFFC0]  }
0x18c: {  	v7 =	vld [tilespmem:s11+$0x30]  }
0x18d: {  	v18 =	vld [tilespmem:s11+$0xFFFFFFC0]  }
0x18e: {  	v19 =	vld [tilespmem:s11+$0xFFFFFFD0]  }
0x18f: {  	v20 =	vld [tilespmem:s11+$0xFFFFFFE0]  }
0x190: {  	v21 =	vld [tilespmem:s11+$0xFFFFFFF0]  }
0x191: {  	v22 =	vld [tilespmem:s11+$0x0]  }
0x192: {  	v23 =	vld [tilespmem:s11+$0x10]  }
0x193: {  	v24 =	vld [tilespmem:s11+$0x20]  }
0x194: {  	v5 =	vld.idx.msk [tilespmem:v0+s6+$0x0], $0xffff  }
0x195: {  	v0 =	vld.idx.msk [tilespmem:v0+s1+$0x0], $0xffff  }
0x196: {  	v8 =	vld.idx.msk [tilespmem:v1+s6+$0x0], $0xffff  }
0x197: {  	v12 =	vld.idx.msk [tilespmem:v2+s6+$0x0], $0xffff  }
0x198: {  	v13 =	vld.idx.msk [tilespmem:v4+s6+$0x0], $0xffff  }
0x199: {  	v14 =	vld.idx.msk [tilespmem:v6+s6+$0x0], $0xffff  }
0x19a: {  	v15 =	vld.idx.msk [tilespmem:v3+s6+$0x0], $0xffff  }
0x19b: {  	v16 =	vld.idx.msk [tilespmem:v9+s6+$0x0], $0xffff  }
0x19c: {  	v17 =	vld.idx.msk [tilespmem:v11+s6+$0x0], $0xffff  }
0x19d: {  	v25 =	vld.idx.msk [tilespmem:v3+s1+$0x0], $0xffff  }
0x19e: {  	v10 =	vld.idx.msk [tilespmem:v1+s1+$0x0], $0xffff  }
0x19f: {  	v3 =	vld.idx.msk [tilespmem:v2+s1+$0x0], $0xffff  }
0x1a0: {  	v9 =	vld.idx.msk [tilespmem:v9+s1+$0x0], $0xffff;
	v5 =	vmul.f32 v7, v5  }
0x1a1: {  	v15 =	vmul.f32 v18, v15;
	v7 =	vld.idx.msk [tilespmem:v6+s1+$0x0], $0xffff  }
0x1a2: {  	v8 =	vmul.f32 v19, v8;
	v6 =	vmul.f32 v21, v13;
	v0 =	vadd.f32 v5, v0;
	v5 =	vld.idx.msk [tilespmem:v4+s1+$0x0], $0xffff  }
0x1a3: {  	s12 =	simm.s32 $0x6540;
	v11 =	vld.idx.msk [tilespmem:v11+s1+$0x0], $0xffff;
	v1 =	vmul.f32 v22, v14;
	v2 =	vmul.f32 v23, v16  }
0x1a4: {  	s13 =	simm.s32 $0x0;
	s14 =	simm.s32 $0x1C0;
	v4 =	vmul.f32 v20, v12;
	v12 =	vadd.f32 v15, v25;
	[tilespmem:s12+$0x30] =	vst v0;
	v0 =	vmul.f32 v24, v17  }
.LBB2_10:
0x1a5: {  	v13 =	vld [tilespmem:s14+$0x30];
	s13 =	sadd.s32 $0x80, s13;
	v8 =	vadd.f32 v8, v10  }
0x1a6: {  	v3 =	vadd.f32 v4, v3;
	v10 =	vld [tilespmem:s14+$0xFFFFFFD0];
	p0 =	slt.u32 s13, $0x3180;
	[tilespmem:s12+$0xFFFFFFC0] =	vst v12  }
0x1a7: {  	v4 =	vadd.f32 v6, v5;
	v12 =	vld [tilespmem:s14+$0xFFFFFFE0];
	[tilespmem:s12+$0xFFFFFFD0] =	vst v8  }
0x1a8: {  	v1 =	vadd.f32 v1, v7;
	v5 =	vld [tilespmem:s14+$0xFFFFFFF0];
	[tilespmem:s12+$0xFFFFFFE0] =	vst v3  }
0x1a9: {  	v2 =	vadd.f32 v2, v9;
	v7 =	vld [tilespmem:s14+$0x0];
	[tilespmem:s12+$0xFFFFFFF0] =	vst v4  }
0x1aa: {  	v0 =	vadd.f32 v0, v11;
	v9 =	vld [tilespmem:s14+$0x10];
	[tilespmem:s12+$0x0] =	vst v1  }
0x1ab: {  	v11 =	vld [tilespmem:s14+$0x20];
	[tilespmem:s12+$0x10] =	vst v2  }
0x1ac: {  	v1 =	vld [tilespmem:s14+$0xFFFFFFC0];
	[tilespmem:s12+$0x20] =	vst v0  }
0x1ad: {  	s11 =	sadd.s32 $0x80, s11;
	v0 =	vld.idx.msk [tilespmem:v13+s6+$0x0], $0xffff  }
0x1ae: {  	v2 =	vld [tilespmem:s11+$0x30]  }
0x1af: {  	v3 =	vld.idx.msk [tilespmem:v13+s1+$0x0], $0xffff  }
0x1b0: {  	v4 =	vld.idx.msk [tilespmem:v10+s6+$0x0], $0xffff  }
0x1b1: {  	v6 =	vld.idx.msk [tilespmem:v12+s6+$0x0], $0xffff  }
0x1b2: {  	v13 =	vld.idx.msk [tilespmem:v5+s6+$0x0], $0xffff  }
0x1b3: {  	v14 =	vld.idx.msk [tilespmem:v7+s6+$0x0], $0xffff;
	v0 =	vmul.f32 v2, v0  }
0x1b4: {  	v2 =	vld.idx.msk [tilespmem:v1+s6+$0x0], $0xffff  }
0x1b5: {  	v15 =	vld.idx.msk [tilespmem:v9+s6+$0x0], $0xffff;
	v0 =	vadd.f32 v0, v3  }
0x1b6: {  	s12 =	sadd.s32 $0x80, s12;
	v16 =	vld.idx.msk [tilespmem:v11+s6+$0x0], $0xffff  }
0x1b7: {  	v3 =	vld [tilespmem:s11+$0xFFFFFFC0];
	[tilespmem:s12+$0x30] =	vst v0  }
0x1b8: {  	v0 =	vld [tilespmem:s11+$0xFFFFFFD0]  }
0x1b9: {  	v17 =	vld [tilespmem:s11+$0xFFFFFFE0]  }
0x1ba: {  	v18 =	vld [tilespmem:s11+$0xFFFFFFF0]  }
0x1bb: {  	v19 =	vld [tilespmem:s11+$0x0]  }
0x1bc: {  	v20 =	vmul.f32 v3, v2;
	v2 =	vld [tilespmem:s11+$0x10]  }
0x1bd: {  	v8 =	vmul.f32 v0, v4;
	v0 =	vld [tilespmem:s11+$0x20]  }
0x1be: {  	v21 =	vld.idx.msk [tilespmem:v1+s1+$0x0], $0xffff;
	v4 =	vmul.f32 v17, v6  }
0x1bf: {  	v10 =	vld.idx.msk [tilespmem:v10+s1+$0x0], $0xffff;
	v6 =	vmul.f32 v18, v13  }
.Ltmp4:
0x1c0: {  	v3 =	vld.idx.msk [tilespmem:v12+s1+$0x0], $0xffff;
	v1 =	vmul.f32 v19, v14;
	(pc) =	sbr.rel @p0 .LBB2_10-.Ltmp4, $4  }
0x1c1: {  	v5 =	vld.idx.msk [tilespmem:v5+s1+$0x0], $0xffff;
	v2 =	vmul.f32 v2, v15  }
0x1c2: {  	v7 =	vld.idx.msk [tilespmem:v7+s1+$0x0], $0xffff;
	v0 =	vmul.f32 v0, v16  }
0x1c3: {  	v9 =	vld.idx.msk [tilespmem:v9+s1+$0x0], $0xffff  }
0x1c4: {  	s14 =	sadd.s32 $0x80, s14;
	v12 =	vadd.f32 v20, v21;
	v11 =	vld.idx.msk [tilespmem:v11+s1+$0x0], $0xffff  }
0x1c5: {  	v8 =	vadd.f32 v8, v10  }
0x1c6: {  	v3 =	vadd.f32 v4, v3;
	[tilespmem:s12+$0xFFFFFFC0] =	vst v12  }
0x1c7: {  	v4 =	vadd.f32 v6, v5;
	[tilespmem:s12+$0xFFFFFFD0] =	vst v8  }
0x1c8: {  	[tilespmem:s12+$0xFFFFFFE0] =	vst v3;
	v1 =	vadd.f32 v1, v7  }
0x1c9: {  	[tilespmem:s12+$0xFFFFFFF0] =	vst v4;
	v2 =	vadd.f32 v2, v9  }
0x1ca: {  	[tilespmem:s12+$0x0] =	vst v1;
	v0 =	vadd.f32 v0, v11  }
0x1cb: {  	[tilespmem:s12+$0x10] =	vst v2  }
0x1cc: {  	[tilespmem:s12+$0x20] =	vst v0  }
0x1cd: {  	s11 =	rddreg [dreg:$0xe]  }
0x1ce: {  	[hbm4b:s11+s1] =	stream.linear.scatter [tilespmem:s9], [sflag:$0x1], $0x3200, $0x38;
	[tilespmem:$0x9700] =	vst v63  }
0x1cf: {  	_ =	swait.ge [sflag:s5], $0x3200  }
0x1d0: {  	[sflag:s5] =	ssyncset.done $0x0  }
0x1d1: {  	s13 =	rddreg [dreg:$0xf];
	[sflag:s5] =	ssyncadd.s32 $0xFFFFCE00  }
0x1d2: {  	[tilespmem:s7], [sflag:$0x1] =	stream.linear.gather [hbm4b:s13+s1], $0x3200, $0x38;
	[tilespmem:$0x9700] =	vst v63  }
0x1d3: {  	_ =	swait.ge [sflag:s5], $0x3200  }
0x1d4: {  	[sflag:s5] =	ssyncset.done $0x0  }
0x1d5: {  	[sflag:s5] =	ssyncadd.s32 $0xFFFFCE00  }
0x1d6: {  	[tilespmem:s8], [sflag:$0x1] =	stream.linear.gather [hbm4b:s15+s1], $0x3200, $0x38;
	[tilespmem:$0x9700] =	vst v63  }
0x1d7: {  	_ =	swait.ge [sflag:s5], $0x3200  }
0x1d8: {  	[sflag:s5] =	ssyncset.done $0x0  }
0x1d9: {  	s14 =	simm.s32 $0x140;
	[sflag:s5] =	ssyncadd.s32 $0xFFFFCE00  }
0x1da: {  	v0 =	vld [tilespmem:s14+$0x30]  }
0x1db: {  	v1 =	vld [tilespmem:s14+$0xFFFFFFD0]  }
0x1dc: {  	v2 =	vld [tilespmem:s14+$0xFFFFFFE0]  }
0x1dd: {  	v4 =	vld [tilespmem:s14+$0xFFFFFFF0]  }
0x1de: {  	v6 =	vld [tilespmem:s14+$0x0]  }
0x1df: {  	v9 =	vld [tilespmem:s14+$0x10]  }
0x1e0: {  	v11 =	vld [tilespmem:s14+$0x20]  }
0x1e1: {  	s11 =	simm.s32 $0x3340;
	v3 =	vld [tilespmem:s14+$0xFFFFFFC0]  }
0x1e2: {  	v7 =	vld [tilespmem:s11+$0x30]  }
0x1e3: {  	v18 =	vld [tilespmem:s11+$0xFFFFFFC0]  }
0x1e4: {  	v19 =	vld [tilespmem:s11+$0xFFFFFFD0]  }
0x1e5: {  	v20 =	vld [tilespmem:s11+$0xFFFFFFE0]  }
0x1e6: {  	v21 =	vld [tilespmem:s11+$0xFFFFFFF0]  }
0x1e7: {  	v22 =	vld [tilespmem:s11+$0x0]  }
0x1e8: {  	v23 =	vld [tilespmem:s11+$0x10]  }
0x1e9: {  	v24 =	vld [tilespmem:s11+$0x20]  }
0x1ea: {  	v5 =	vld.idx.msk [tilespmem:v0+s6+$0x0], $0xffff  }
0x1eb: {  	v0 =	vld.idx.msk [tilespmem:v0+s1+$0x0], $0xffff  }
0x1ec: {  	v8 =	vld.idx.msk [tilespmem:v1+s6+$0x0], $0xffff  }
0x1ed: {  	v12 =	vld.idx.msk [tilespmem:v2+s6+$0x0], $0xffff  }
0x1ee: {  	v13 =	vld.idx.msk [tilespmem:v4+s6+$0x0], $0xffff  }
0x1ef: {  	v14 =	vld.idx.msk [tilespmem:v6+s6+$0x0], $0xffff  }
0x1f0: {  	v15 =	vld.idx.msk [tilespmem:v3+s6+$0x0], $0xffff  }
0x1f1: {  	v16 =	vld.idx.msk [tilespmem:v9+s6+$0x0], $0xffff  }
0x1f2: {  	v17 =	vld.idx.msk [tilespmem:v11+s6+$0x0], $0xffff  }
0x1f3: {  	v25 =	vld.idx.msk [tilespmem:v3+s1+$0x0], $0xffff  }
0x1f4: {  	v10 =	vld.idx.msk [tilespmem:v1+s1+$0x0], $0xffff  }
0x1f5: {  	v3 =	vld.idx.msk [tilespmem:v2+s1+$0x0], $0xffff  }
0x1f6: {  	v9 =	vld.idx.msk [tilespmem:v9+s1+$0x0], $0xffff;
	v5 =	vmul.f32 v7, v5  }
0x1f7: {  	v15 =	vmul.f32 v18, v15;
	v7 =	vld.idx.msk [tilespmem:v6+s1+$0x0], $0xffff  }
0x1f8: {  	v8 =	vmul.f32 v19, v8;
	v6 =	vmul.f32 v21, v13;
	v0 =	vadd.f32 v5, v0;
	v5 =	vld.idx.msk [tilespmem:v4+s1+$0x0], $0xffff  }
0x1f9: {  	s12 =	simm.s32 $0x6540;
	v11 =	vld.idx.msk [tilespmem:v11+s1+$0x0], $0xffff;
	v1 =	vmul.f32 v22, v14;
	v2 =	vmul.f32 v23, v16  }
0x1fa: {  	s13 =	simm.s32 $0x0;
	s14 =	simm.s32 $0x1C0;
	v4 =	vmul.f32 v20, v12;
	v12 =	vadd.f32 v15, v25;
	[tilespmem:s12+$0x30] =	vst v0;
	v0 =	vmul.f32 v24, v17  }
.LBB2_12:
0x1fb: {  	v13 =	vld [tilespmem:s14+$0x30];
	s13 =	sadd.s32 $0x80, s13;
	v8 =	vadd.f32 v8, v10  }
0x1fc: {  	v3 =	vadd.f32 v4, v3;
	v10 =	vld [tilespmem:s14+$0xFFFFFFD0];
	p0 =	slt.u32 s13, $0x3180;
	[tilespmem:s12+$0xFFFFFFC0] =	vst v12  }
0x1fd: {  	v4 =	vadd.f32 v6, v5;
	v12 =	vld [tilespmem:s14+$0xFFFFFFE0];
	[tilespmem:s12+$0xFFFFFFD0] =	vst v8  }
0x1fe: {  	v1 =	vadd.f32 v1, v7;
	v5 =	vld [tilespmem:s14+$0xFFFFFFF0];
	[tilespmem:s12+$0xFFFFFFE0] =	vst v3  }
0x1ff: {  	v2 =	vadd.f32 v2, v9;
	v7 =	vld [tilespmem:s14+$0x0];
	[tilespmem:s12+$0xFFFFFFF0] =	vst v4  }
0x200: {  	v0 =	vadd.f32 v0, v11;
	v9 =	vld [tilespmem:s14+$0x10];
	[tilespmem:s12+$0x0] =	vst v1  }
0x201: {  	v11 =	vld [tilespmem:s14+$0x20];
	[tilespmem:s12+$0x10] =	vst v2  }
0x202: {  	v1 =	vld [tilespmem:s14+$0xFFFFFFC0];
	[tilespmem:s12+$0x20] =	vst v0  }
0x203: {  	s11 =	sadd.s32 $0x80, s11;
	v0 =	vld.idx.msk [tilespmem:v13+s6+$0x0], $0xffff  }
0x204: {  	v2 =	vld [tilespmem:s11+$0x30]  }
0x205: {  	v3 =	vld.idx.msk [tilespmem:v13+s1+$0x0], $0xffff  }
0x206: {  	v4 =	vld.idx.msk [tilespmem:v10+s6+$0x0], $0xffff  }
0x207: {  	v6 =	vld.idx.msk [tilespmem:v12+s6+$0x0], $0xffff  }
0x208: {  	v13 =	vld.idx.msk [tilespmem:v5+s6+$0x0], $0xffff  }
0x209: {  	v14 =	vld.idx.msk [tilespmem:v7+s6+$0x0], $0xffff;
	v0 =	vmul.f32 v2, v0  }
0x20a: {  	v2 =	vld.idx.msk [tilespmem:v1+s6+$0x0], $0xffff  }
0x20b: {  	v15 =	vld.idx.msk [tilespmem:v9+s6+$0x0], $0xffff;
	v0 =	vadd.f32 v0, v3  }
0x20c: {  	s12 =	sadd.s32 $0x80, s12;
	v16 =	vld.idx.msk [tilespmem:v11+s6+$0x0], $0xffff  }
0x20d: {  	v3 =	vld [tilespmem:s11+$0xFFFFFFC0];
	[tilespmem:s12+$0x30] =	vst v0  }
0x20e: {  	v0 =	vld [tilespmem:s11+$0xFFFFFFD0]  }
0x20f: {  	v17 =	vld [tilespmem:s11+$0xFFFFFFE0]  }
0x210: {  	v18 =	vld [tilespmem:s11+$0xFFFFFFF0]  }
0x211: {  	v19 =	vld [tilespmem:s11+$0x0]  }
0x212: {  	v20 =	vmul.f32 v3, v2;
	v2 =	vld [tilespmem:s11+$0x10]  }
0x213: {  	v8 =	vmul.f32 v0, v4;
	v0 =	vld [tilespmem:s11+$0x20]  }
0x214: {  	v21 =	vld.idx.msk [tilespmem:v1+s1+$0x0], $0xffff;
	v4 =	vmul.f32 v17, v6  }
0x215: {  	v10 =	vld.idx.msk [tilespmem:v10+s1+$0x0], $0xffff;
	v6 =	vmul.f32 v18, v13  }
.Ltmp5:
0x216: {  	v3 =	vld.idx.msk [tilespmem:v12+s1+$0x0], $0xffff;
	v1 =	vmul.f32 v19, v14;
	(pc) =	sbr.rel @p0 .LBB2_12-.Ltmp5, $4  }
0x217: {  	v5 =	vld.idx.msk [tilespmem:v5+s1+$0x0], $0xffff;
	v2 =	vmul.f32 v2, v15  }
0x218: {  	v7 =	vld.idx.msk [tilespmem:v7+s1+$0x0], $0xffff;
	v0 =	vmul.f32 v0, v16  }
0x219: {  	v9 =	vld.idx.msk [tilespmem:v9+s1+$0x0], $0xffff  }
0x21a: {  	s14 =	sadd.s32 $0x80, s14;
	v12 =	vadd.f32 v20, v21;
	v11 =	vld.idx.msk [tilespmem:v11+s1+$0x0], $0xffff  }
0x21b: {  	v8 =	vadd.f32 v8, v10  }
0x21c: {  	v3 =	vadd.f32 v4, v3;
	[tilespmem:s12+$0xFFFFFFC0] =	vst v12  }
0x21d: {  	v4 =	vadd.f32 v6, v5;
	[tilespmem:s12+$0xFFFFFFD0] =	vst v8  }
0x21e: {  	[tilespmem:s12+$0xFFFFFFE0] =	vst v3;
	v1 =	vadd.f32 v1, v7  }
0x21f: {  	[tilespmem:s12+$0xFFFFFFF0] =	vst v4;
	v2 =	vadd.f32 v2, v9  }
0x220: {  	[tilespmem:s12+$0x0] =	vst v1;
	v0 =	vadd.f32 v0, v11  }
0x221: {  	[tilespmem:s12+$0x10] =	vst v2  }
0x222: {  	[tilespmem:s12+$0x20] =	vst v0  }
0x223: {  	[hbm4b:s16+s1] =	stream.linear.scatter [tilespmem:s9], [sflag:$0x1], $0x3200, $0x38;
	[tilespmem:$0x9700] =	vst v63  }
0x224: {  	_ =	swait.ge [sflag:s5], $0x3200  }
0x225: {  	[sflag:s5] =	ssyncset.done $0x0  }
0x226: {  	[sflag:s5] =	ssyncadd.s32 $0xFFFFCE00  }
0x227: {  	[tilespmem:s7], [sflag:$0x1] =	stream.linear.gather [hbm4b:s17+s1], $0x3200, $0x38;
	[tilespmem:$0x9700] =	vst v63  }
0x228: {  	_ =	swait.ge [sflag:s5], $0x3200  }
0x229: {  	[sflag:s5] =	ssyncset.done $0x0  }
0x22a: {  	[sflag:s5] =	ssyncadd.s32 $0xFFFFCE00  }
0x22b: {  	[tilespmem:s8], [sflag:$0x1] =	stream.linear.gather [hbm4b:s18+s1], $0x3200, $0x38;
	[tilespmem:$0x9700] =	vst v63  }
0x22c: {  	_ =	swait.ge [sflag:s5], $0x3200  }
0x22d: {  	[sflag:s5] =	ssyncset.done $0x0  }
0x22e: {  	s11 =	simm.s32 $0x140;
	[sflag:s5] =	ssyncadd.s32 $0xFFFFCE00  }
0x22f: {  	v0 =	vld [tilespmem:s11+$0x30]  }
0x230: {  	v1 =	vld [tilespmem:s11+$0xFFFFFFD0]  }
0x231: {  	v2 =	vld [tilespmem:s11+$0xFFFFFFE0]  }
0x232: {  	v4 =	vld [tilespmem:s11+$0xFFFFFFF0]  }
0x233: {  	v6 =	vld [tilespmem:s11+$0x0]  }
0x234: {  	v9 =	vld [tilespmem:s11+$0x10]  }
0x235: {  	v11 =	vld [tilespmem:s11+$0x20]  }
0x236: {  	v3 =	vld [tilespmem:s11+$0xFFFFFFC0];
	s11 =	simm.s32 $0x3340  }
0x237: {  	v7 =	vld [tilespmem:s11+$0x30]  }
0x238: {  	v18 =	vld [tilespmem:s11+$0xFFFFFFC0]  }
0x239: {  	v19 =	vld [tilespmem:s11+$0xFFFFFFD0]  }
0x23a: {  	v20 =	vld [tilespmem:s11+$0xFFFFFFE0]  }
0x23b: {  	v21 =	vld [tilespmem:s11+$0xFFFFFFF0]  }
0x23c: {  	v22 =	vld [tilespmem:s11+$0x0]  }
0x23d: {  	v23 =	vld [tilespmem:s11+$0x10]  }
0x23e: {  	v24 =	vld [tilespmem:s11+$0x20]  }
0x23f: {  	v5 =	vld.idx.msk [tilespmem:v0+s6+$0x0], $0xffff  }
0x240: {  	v0 =	vld.idx.msk [tilespmem:v0+s1+$0x0], $0xffff  }
0x241: {  	v8 =	vld.idx.msk [tilespmem:v1+s6+$0x0], $0xffff  }
0x242: {  	v12 =	vld.idx.msk [tilespmem:v2+s6+$0x0], $0xffff  }
0x243: {  	v13 =	vld.idx.msk [tilespmem:v4+s6+$0x0], $0xffff  }
0x244: {  	v14 =	vld.idx.msk [tilespmem:v6+s6+$0x0], $0xffff  }
0x245: {  	v15 =	vld.idx.msk [tilespmem:v3+s6+$0x0], $0xffff  }
0x246: {  	v16 =	vld.idx.msk [tilespmem:v9+s6+$0x0], $0xffff  }
0x247: {  	v17 =	vld.idx.msk [tilespmem:v11+s6+$0x0], $0xffff  }
0x248: {  	v25 =	vld.idx.msk [tilespmem:v3+s1+$0x0], $0xffff  }
0x249: {  	v10 =	vld.idx.msk [tilespmem:v1+s1+$0x0], $0xffff  }
0x24a: {  	v3 =	vld.idx.msk [tilespmem:v2+s1+$0x0], $0xffff  }
0x24b: {  	v9 =	vld.idx.msk [tilespmem:v9+s1+$0x0], $0xffff;
	v5 =	vmul.f32 v7, v5  }
0x24c: {  	v15 =	vmul.f32 v18, v15;
	v7 =	vld.idx.msk [tilespmem:v6+s1+$0x0], $0xffff  }
0x24d: {  	v8 =	vmul.f32 v19, v8;
	v6 =	vmul.f32 v21, v13;
	v0 =	vadd.f32 v5, v0;
	v5 =	vld.idx.msk [tilespmem:v4+s1+$0x0], $0xffff  }
0x24e: {  	s12 =	simm.s32 $0x6540;
	v11 =	vld.idx.msk [tilespmem:v11+s1+$0x0], $0xffff;
	v1 =	vmul.f32 v22, v14;
	v2 =	vmul.f32 v23, v16  }
0x24f: {  	s13 =	simm.s32 $0x0;
	s14 =	simm.s32 $0x1C0;
	v4 =	vmul.f32 v20, v12;
	v12 =	vadd.f32 v15, v25;
	[tilespmem:s12+$0x30] =	vst v0;
	v0 =	vmul.f32 v24, v17  }
.LBB2_14:
0x250: {  	v13 =	vld [tilespmem:s14+$0x30];
	s13 =	sadd.s32 $0x80, s13;
	v8 =	vadd.f32 v8, v10  }
0x251: {  	v3 =	vadd.f32 v4, v3;
	v10 =	vld [tilespmem:s14+$0xFFFFFFD0];
	p0 =	slt.u32 s13, $0x3180;
	[tilespmem:s12+$0xFFFFFFC0] =	vst v12  }
0x252: {  	v4 =	vadd.f32 v6, v5;
	v12 =	vld [tilespmem:s14+$0xFFFFFFE0];
	[tilespmem:s12+$0xFFFFFFD0] =	vst v8  }
0x253: {  	v1 =	vadd.f32 v1, v7;
	v5 =	vld [tilespmem:s14+$0xFFFFFFF0];
	[tilespmem:s12+$0xFFFFFFE0] =	vst v3  }
0x254: {  	v2 =	vadd.f32 v2, v9;
	v7 =	vld [tilespmem:s14+$0x0];
	[tilespmem:s12+$0xFFFFFFF0] =	vst v4  }
0x255: {  	v0 =	vadd.f32 v0, v11;
	v9 =	vld [tilespmem:s14+$0x10];
	[tilespmem:s12+$0x0] =	vst v1  }
0x256: {  	v11 =	vld [tilespmem:s14+$0x20];
	[tilespmem:s12+$0x10] =	vst v2  }
0x257: {  	v1 =	vld [tilespmem:s14+$0xFFFFFFC0];
	[tilespmem:s12+$0x20] =	vst v0  }
0x258: {  	s11 =	sadd.s32 $0x80, s11;
	v0 =	vld.idx.msk [tilespmem:v13+s6+$0x0], $0xffff  }
0x259: {  	v2 =	vld [tilespmem:s11+$0x30]  }
0x25a: {  	v3 =	vld.idx.msk [tilespmem:v13+s1+$0x0], $0xffff  }
0x25b: {  	v4 =	vld.idx.msk [tilespmem:v10+s6+$0x0], $0xffff  }
0x25c: {  	v6 =	vld.idx.msk [tilespmem:v12+s6+$0x0], $0xffff  }
0x25d: {  	v13 =	vld.idx.msk [tilespmem:v5+s6+$0x0], $0xffff  }
0x25e: {  	v14 =	vld.idx.msk [tilespmem:v7+s6+$0x0], $0xffff;
	v0 =	vmul.f32 v2, v0  }
0x25f: {  	v2 =	vld.idx.msk [tilespmem:v1+s6+$0x0], $0xffff  }
0x260: {  	v15 =	vld.idx.msk [tilespmem:v9+s6+$0x0], $0xffff;
	v0 =	vadd.f32 v0, v3  }
0x261: {  	s12 =	sadd.s32 $0x80, s12;
	v16 =	vld.idx.msk [tilespmem:v11+s6+$0x0], $0xffff  }
0x262: {  	v3 =	vld [tilespmem:s11+$0xFFFFFFC0];
	[tilespmem:s12+$0x30] =	vst v0  }
0x263: {  	v0 =	vld [tilespmem:s11+$0xFFFFFFD0]  }
0x264: {  	v17 =	vld [tilespmem:s11+$0xFFFFFFE0]  }
0x265: {  	v18 =	vld [tilespmem:s11+$0xFFFFFFF0]  }
0x266: {  	v19 =	vld [tilespmem:s11+$0x0]  }
0x267: {  	v20 =	vmul.f32 v3, v2;
	v2 =	vld [tilespmem:s11+$0x10]  }
0x268: {  	v8 =	vmul.f32 v0, v4;
	v0 =	vld [tilespmem:s11+$0x20]  }
0x269: {  	v21 =	vld.idx.msk [tilespmem:v1+s1+$0x0], $0xffff;
	v4 =	vmul.f32 v17, v6  }
0x26a: {  	v10 =	vld.idx.msk [tilespmem:v10+s1+$0x0], $0xffff;
	v6 =	vmul.f32 v18, v13  }
.Ltmp6:
0x26b: {  	v3 =	vld.idx.msk [tilespmem:v12+s1+$0x0], $0xffff;
	v1 =	vmul.f32 v19, v14;
	(pc) =	sbr.rel @p0 .LBB2_14-.Ltmp6, $4  }
0x26c: {  	v5 =	vld.idx.msk [tilespmem:v5+s1+$0x0], $0xffff;
	v2 =	vmul.f32 v2, v15  }
0x26d: {  	v7 =	vld.idx.msk [tilespmem:v7+s1+$0x0], $0xffff;
	v0 =	vmul.f32 v0, v16  }
0x26e: {  	v9 =	vld.idx.msk [tilespmem:v9+s1+$0x0], $0xffff  }
0x26f: {  	s14 =	sadd.s32 $0x80, s14;
	v12 =	vadd.f32 v20, v21;
	v11 =	vld.idx.msk [tilespmem:v11+s1+$0x0], $0xffff  }
0x270: {  	v8 =	vadd.f32 v8, v10  }
0x271: {  	v3 =	vadd.f32 v4, v3;
	[tilespmem:s12+$0xFFFFFFC0] =	vst v12  }
0x272: {  	v4 =	vadd.f32 v6, v5;
	[tilespmem:s12+$0xFFFFFFD0] =	vst v8  }
0x273: {  	[tilespmem:s12+$0xFFFFFFE0] =	vst v3;
	v1 =	vadd.f32 v1, v7  }
0x274: {  	[tilespmem:s12+$0xFFFFFFF0] =	vst v4;
	v2 =	vadd.f32 v2, v9  }
0x275: {  	[tilespmem:s12+$0x0] =	vst v1;
	v0 =	vadd.f32 v0, v11  }
0x276: {  	[tilespmem:s12+$0x10] =	vst v2  }
0x277: {  	[tilespmem:s12+$0x20] =	vst v0  }
0x278: {  	[hbm4b:s19+s1] =	stream.linear.scatter [tilespmem:s9], [sflag:$0x1], $0x3200, $0x38;
	[tilespmem:$0x9700] =	vst v63  }
0x279: {  	_ =	swait.ge [sflag:s5], $0x3200  }
0x27a: {  	[sflag:s5] =	ssyncset.done $0x0  }
0x27b: {  	[sflag:s5] =	ssyncadd.s32 $0xFFFFCE00  }
0x27c: {  	[tilespmem:s7], [sflag:$0x1] =	stream.linear.gather [hbm4b:s20+s1], $0x3200, $0x38;
	[tilespmem:$0x9700] =	vst v63  }
0x27d: {  	_ =	swait.ge [sflag:s5], $0x3200  }
0x27e: {  	[sflag:s5] =	ssyncset.done $0x0  }
0x27f: {  	[sflag:s5] =	ssyncadd.s32 $0xFFFFCE00  }
0x280: {  	[tilespmem:s8], [sflag:$0x1] =	stream.linear.gather [hbm4b:s21+s1], $0x3200, $0x38;
	[tilespmem:$0x9700] =	vst v63  }
0x281: {  	_ =	swait.ge [sflag:s5], $0x3200  }
0x282: {  	[sflag:s5] =	ssyncset.done $0x0  }
0x283: {  	s11 =	simm.s32 $0x140;
	[sflag:s5] =	ssyncadd.s32 $0xFFFFCE00  }
0x284: {  	v0 =	vld [tilespmem:s11+$0x30]  }
0x285: {  	v1 =	vld [tilespmem:s11+$0xFFFFFFD0]  }
0x286: {  	v2 =	vld [tilespmem:s11+$0xFFFFFFE0]  }
0x287: {  	v4 =	vld [tilespmem:s11+$0xFFFFFFF0]  }
0x288: {  	v6 =	vld [tilespmem:s11+$0x0]  }
0x289: {  	v9 =	vld [tilespmem:s11+$0x10]  }
0x28a: {  	v11 =	vld [tilespmem:s11+$0x20]  }
0x28b: {  	v3 =	vld [tilespmem:s11+$0xFFFFFFC0];
	s11 =	simm.s32 $0x3340  }
0x28c: {  	v7 =	vld [tilespmem:s11+$0x30]  }
0x28d: {  	v18 =	vld [tilespmem:s11+$0xFFFFFFC0]  }
0x28e: {  	v19 =	vld [tilespmem:s11+$0xFFFFFFD0]  }
0x28f: {  	v20 =	vld [tilespmem:s11+$0xFFFFFFE0]  }
0x290: {  	v21 =	vld [tilespmem:s11+$0xFFFFFFF0]  }
0x291: {  	v22 =	vld [tilespmem:s11+$0x0]  }
0x292: {  	v23 =	vld [tilespmem:s11+$0x10]  }
0x293: {  	v24 =	vld [tilespmem:s11+$0x20]  }
0x294: {  	v5 =	vld.idx.msk [tilespmem:v0+s6+$0x0], $0xffff  }
0x295: {  	v0 =	vld.idx.msk [tilespmem:v0+s1+$0x0], $0xffff  }
0x296: {  	v8 =	vld.idx.msk [tilespmem:v1+s6+$0x0], $0xffff  }
0x297: {  	v12 =	vld.idx.msk [tilespmem:v2+s6+$0x0], $0xffff  }
0x298: {  	v13 =	vld.idx.msk [tilespmem:v4+s6+$0x0], $0xffff  }
0x299: {  	v14 =	vld.idx.msk [tilespmem:v6+s6+$0x0], $0xffff  }
0x29a: {  	v15 =	vld.idx.msk [tilespmem:v3+s6+$0x0], $0xffff  }
0x29b: {  	v16 =	vld.idx.msk [tilespmem:v9+s6+$0x0], $0xffff  }
0x29c: {  	v17 =	vld.idx.msk [tilespmem:v11+s6+$0x0], $0xffff  }
0x29d: {  	v25 =	vld.idx.msk [tilespmem:v3+s1+$0x0], $0xffff  }
0x29e: {  	v10 =	vld.idx.msk [tilespmem:v1+s1+$0x0], $0xffff  }
0x29f: {  	v3 =	vld.idx.msk [tilespmem:v2+s1+$0x0], $0xffff  }
0x2a0: {  	v9 =	vld.idx.msk [tilespmem:v9+s1+$0x0], $0xffff;
	v5 =	vmul.f32 v7, v5  }
0x2a1: {  	v15 =	vmul.f32 v18, v15;
	v7 =	vld.idx.msk [tilespmem:v6+s1+$0x0], $0xffff  }
0x2a2: {  	v8 =	vmul.f32 v19, v8;
	v6 =	vmul.f32 v21, v13;
	v0 =	vadd.f32 v5, v0;
	v5 =	vld.idx.msk [tilespmem:v4+s1+$0x0], $0xffff  }
0x2a3: {  	s12 =	simm.s32 $0x6540;
	v11 =	vld.idx.msk [tilespmem:v11+s1+$0x0], $0xffff;
	v1 =	vmul.f32 v22, v14;
	v2 =	vmul.f32 v23, v16  }
0x2a4: {  	s13 =	simm.s32 $0x0;
	s14 =	simm.s32 $0x1C0;
	v4 =	vmul.f32 v20, v12;
	v12 =	vadd.f32 v15, v25;
	[tilespmem:s12+$0x30] =	vst v0;
	v0 =	vmul.f32 v24, v17  }
.LBB2_16:
0x2a5: {  	v13 =	vld [tilespmem:s14+$0x30];
	s13 =	sadd.s32 $0x80, s13;
	v8 =	vadd.f32 v8, v10  }
0x2a6: {  	v3 =	vadd.f32 v4, v3;
	v10 =	vld [tilespmem:s14+$0xFFFFFFD0];
	p0 =	slt.u32 s13, $0x3180;
	[tilespmem:s12+$0xFFFFFFC0] =	vst v12  }
0x2a7: {  	v4 =	vadd.f32 v6, v5;
	v12 =	vld [tilespmem:s14+$0xFFFFFFE0];
	[tilespmem:s12+$0xFFFFFFD0] =	vst v8  }
0x2a8: {  	v1 =	vadd.f32 v1, v7;
	v5 =	vld [tilespmem:s14+$0xFFFFFFF0];
	[tilespmem:s12+$0xFFFFFFE0] =	vst v3  }
0x2a9: {  	v2 =	vadd.f32 v2, v9;
	v7 =	vld [tilespmem:s14+$0x0];
	[tilespmem:s12+$0xFFFFFFF0] =	vst v4  }
0x2aa: {  	v0 =	vadd.f32 v0, v11;
	v9 =	vld [tilespmem:s14+$0x10];
	[tilespmem:s12+$0x0] =	vst v1  }
0x2ab: {  	v11 =	vld [tilespmem:s14+$0x20];
	[tilespmem:s12+$0x10] =	vst v2  }
0x2ac: {  	v1 =	vld [tilespmem:s14+$0xFFFFFFC0];
	[tilespmem:s12+$0x20] =	vst v0  }
0x2ad: {  	s11 =	sadd.s32 $0x80, s11;
	v0 =	vld.idx.msk [tilespmem:v13+s6+$0x0], $0xffff  }
0x2ae: {  	v2 =	vld [tilespmem:s11+$0x30]  }
0x2af: {  	v3 =	vld.idx.msk [tilespmem:v13+s1+$0x0], $0xffff  }
0x2b0: {  	v4 =	vld.idx.msk [tilespmem:v10+s6+$0x0], $0xffff  }
0x2b1: {  	v6 =	vld.idx.msk [tilespmem:v12+s6+$0x0], $0xffff  }
0x2b2: {  	v13 =	vld.idx.msk [tilespmem:v5+s6+$0x0], $0xffff  }
0x2b3: {  	v14 =	vld.idx.msk [tilespmem:v7+s6+$0x0], $0xffff;
	v0 =	vmul.f32 v2, v0  }
0x2b4: {  	v2 =	vld.idx.msk [tilespmem:v1+s6+$0x0], $0xffff  }
0x2b5: {  	v15 =	vld.idx.msk [tilespmem:v9+s6+$0x0], $0xffff;
	v0 =	vadd.f32 v0, v3  }
0x2b6: {  	s12 =	sadd.s32 $0x80, s12;
	v16 =	vld.idx.msk [tilespmem:v11+s6+$0x0], $0xffff  }
0x2b7: {  	v3 =	vld [tilespmem:s11+$0xFFFFFFC0];
	[tilespmem:s12+$0x30] =	vst v0  }
0x2b8: {  	v0 =	vld [tilespmem:s11+$0xFFFFFFD0]  }
0x2b9: {  	v17 =	vld [tilespmem:s11+$0xFFFFFFE0]  }
0x2ba: {  	v18 =	vld [tilespmem:s11+$0xFFFFFFF0]  }
0x2bb: {  	v19 =	vld [tilespmem:s11+$0x0]  }
0x2bc: {  	v20 =	vmul.f32 v3, v2;
	v2 =	vld [tilespmem:s11+$0x10]  }
0x2bd: {  	v8 =	vmul.f32 v0, v4;
	v0 =	vld [tilespmem:s11+$0x20]  }
0x2be: {  	v21 =	vld.idx.msk [tilespmem:v1+s1+$0x0], $0xffff;
	v4 =	vmul.f32 v17, v6  }
0x2bf: {  	v10 =	vld.idx.msk [tilespmem:v10+s1+$0x0], $0xffff;
	v6 =	vmul.f32 v18, v13  }
.Ltmp7:
0x2c0: {  	v3 =	vld.idx.msk [tilespmem:v12+s1+$0x0], $0xffff;
	v1 =	vmul.f32 v19, v14;
	(pc) =	sbr.rel @p0 .LBB2_16-.Ltmp7, $4  }
0x2c1: {  	v5 =	vld.idx.msk [tilespmem:v5+s1+$0x0], $0xffff;
	v2 =	vmul.f32 v2, v15  }
0x2c2: {  	v7 =	vld.idx.msk [tilespmem:v7+s1+$0x0], $0xffff;
	v0 =	vmul.f32 v0, v16  }
0x2c3: {  	v9 =	vld.idx.msk [tilespmem:v9+s1+$0x0], $0xffff  }
0x2c4: {  	s14 =	sadd.s32 $0x80, s14;
	v12 =	vadd.f32 v20, v21;
	v11 =	vld.idx.msk [tilespmem:v11+s1+$0x0], $0xffff  }
0x2c5: {  	v8 =	vadd.f32 v8, v10  }
0x2c6: {  	v3 =	vadd.f32 v4, v3;
	[tilespmem:s12+$0xFFFFFFC0] =	vst v12  }
0x2c7: {  	v4 =	vadd.f32 v6, v5;
	[tilespmem:s12+$0xFFFFFFD0] =	vst v8  }
0x2c8: {  	[tilespmem:s12+$0xFFFFFFE0] =	vst v3;
	v1 =	vadd.f32 v1, v7  }
0x2c9: {  	[tilespmem:s12+$0xFFFFFFF0] =	vst v4;
	v2 =	vadd.f32 v2, v9  }
0x2ca: {  	[tilespmem:s12+$0x0] =	vst v1;
	v0 =	vadd.f32 v0, v11  }
0x2cb: {  	[tilespmem:s12+$0x10] =	vst v2  }
0x2cc: {  	[tilespmem:s12+$0x20] =	vst v0  }
0x2cd: {  	[hbm4b:s22+s1] =	stream.linear.scatter [tilespmem:s9], [sflag:$0x1], $0x3200, $0x38;
	[tilespmem:$0x9700] =	vst v63  }
0x2ce: {  	_ =	swait.ge [sflag:s5], $0x3200  }
0x2cf: {  	[sflag:s5] =	ssyncset.done $0x0  }
0x2d0: {  	[sflag:s5] =	ssyncadd.s32 $0xFFFFCE00  }
0x2d1: {  	[tilespmem:s7], [sflag:$0x1] =	stream.linear.gather [hbm4b:s28+s1], $0x3200, $0x38;
	[tilespmem:$0x9700] =	vst v63  }
0x2d2: {  	_ =	swait.ge [sflag:s5], $0x3200  }
0x2d3: {  	[sflag:s5] =	ssyncset.done $0x0  }
0x2d4: {  	[sflag:s5] =	ssyncadd.s32 $0xFFFFCE00  }
0x2d5: {  	[tilespmem:s8], [sflag:$0x1] =	stream.linear.gather [hbm4b:s29+s1], $0x3200, $0x38;
	[tilespmem:$0x9700] =	vst v63  }
0x2d6: {  	_ =	swait.ge [sflag:s5], $0x3200  }
0x2d7: {  	[sflag:s5] =	ssyncset.done $0x0  }
0x2d8: {  	s11 =	simm.s32 $0x140;
	[sflag:s5] =	ssyncadd.s32 $0xFFFFCE00  }
0x2d9: {  	v0 =	vld [tilespmem:s11+$0x30]  }
0x2da: {  	v1 =	vld [tilespmem:s11+$0xFFFFFFD0]  }
0x2db: {  	v2 =	vld [tilespmem:s11+$0xFFFFFFE0]  }
0x2dc: {  	v4 =	vld [tilespmem:s11+$0xFFFFFFF0]  }
0x2dd: {  	v6 =	vld [tilespmem:s11+$0x0]  }
0x2de: {  	v9 =	vld [tilespmem:s11+$0x10]  }
0x2df: {  	v11 =	vld [tilespmem:s11+$0x20]  }
0x2e0: {  	v3 =	vld [tilespmem:s11+$0xFFFFFFC0];
	s11 =	simm.s32 $0x3340  }
0x2e1: {  	v7 =	vld [tilespmem:s11+$0x30]  }
0x2e2: {  	v18 =	vld [tilespmem:s11+$0xFFFFFFC0]  }
0x2e3: {  	v19 =	vld [tilespmem:s11+$0xFFFFFFD0]  }
0x2e4: {  	v20 =	vld [tilespmem:s11+$0xFFFFFFE0]  }
0x2e5: {  	v21 =	vld [tilespmem:s11+$0xFFFFFFF0]  }
0x2e6: {  	v22 =	vld [tilespmem:s11+$0x0]  }
0x2e7: {  	v23 =	vld [tilespmem:s11+$0x10]  }
0x2e8: {  	v24 =	vld [tilespmem:s11+$0x20]  }
0x2e9: {  	v5 =	vld.idx.msk [tilespmem:v0+s6+$0x0], $0xffff  }
0x2ea: {  	v0 =	vld.idx.msk [tilespmem:v0+s1+$0x0], $0xffff  }
0x2eb: {  	v8 =	vld.idx.msk [tilespmem:v1+s6+$0x0], $0xffff  }
0x2ec: {  	v12 =	vld.idx.msk [tilespmem:v2+s6+$0x0], $0xffff  }
0x2ed: {  	v13 =	vld.idx.msk [tilespmem:v4+s6+$0x0], $0xffff  }
0x2ee: {  	v14 =	vld.idx.msk [tilespmem:v6+s6+$0x0], $0xffff  }
0x2ef: {  	v15 =	vld.idx.msk [tilespmem:v3+s6+$0x0], $0xffff  }
0x2f0: {  	v16 =	vld.idx.msk [tilespmem:v9+s6+$0x0], $0xffff  }
0x2f1: {  	v17 =	vld.idx.msk [tilespmem:v11+s6+$0x0], $0xffff  }
0x2f2: {  	v25 =	vld.idx.msk [tilespmem:v3+s1+$0x0], $0xffff  }
0x2f3: {  	v10 =	vld.idx.msk [tilespmem:v1+s1+$0x0], $0xffff  }
0x2f4: {  	v3 =	vld.idx.msk [tilespmem:v2+s1+$0x0], $0xffff  }
0x2f5: {  	v9 =	vld.idx.msk [tilespmem:v9+s1+$0x0], $0xffff;
	v5 =	vmul.f32 v7, v5  }
0x2f6: {  	v15 =	vmul.f32 v18, v15;
	v7 =	vld.idx.msk [tilespmem:v6+s1+$0x0], $0xffff  }
0x2f7: {  	v8 =	vmul.f32 v19, v8;
	v6 =	vmul.f32 v21, v13;
	v0 =	vadd.f32 v5, v0;
	v5 =	vld.idx.msk [tilespmem:v4+s1+$0x0], $0xffff  }
0x2f8: {  	s12 =	simm.s32 $0x6540;
	v11 =	vld.idx.msk [tilespmem:v11+s1+$0x0], $0xffff;
	v1 =	vmul.f32 v22, v14;
	v2 =	vmul.f32 v23, v16  }
0x2f9: {  	s13 =	simm.s32 $0x0;
	s14 =	simm.s32 $0x1C0;
	v4 =	vmul.f32 v20, v12;
	v12 =	vadd.f32 v15, v25;
	[tilespmem:s12+$0x30] =	vst v0;
	v0 =	vmul.f32 v24, v17  }
.LBB2_18:
0x2fa: {  	v13 =	vld [tilespmem:s14+$0x30];
	s13 =	sadd.s32 $0x80, s13;
	v8 =	vadd.f32 v8, v10  }
0x2fb: {  	v3 =	vadd.f32 v4, v3;
	v10 =	vld [tilespmem:s14+$0xFFFFFFD0];
	p0 =	slt.u32 s13, $0x3180;
	[tilespmem:s12+$0xFFFFFFC0] =	vst v12  }
0x2fc: {  	v4 =	vadd.f32 v6, v5;
	v12 =	vld [tilespmem:s14+$0xFFFFFFE0];
	[tilespmem:s12+$0xFFFFFFD0] =	vst v8  }
0x2fd: {  	v1 =	vadd.f32 v1, v7;
	v5 =	vld [tilespmem:s14+$0xFFFFFFF0];
	[tilespmem:s12+$0xFFFFFFE0] =	vst v3  }
0x2fe: {  	v2 =	vadd.f32 v2, v9;
	v7 =	vld [tilespmem:s14+$0x0];
	[tilespmem:s12+$0xFFFFFFF0] =	vst v4  }
0x2ff: {  	v0 =	vadd.f32 v0, v11;
	v9 =	vld [tilespmem:s14+$0x10];
	[tilespmem:s12+$0x0] =	vst v1  }
0x300: {  	v11 =	vld [tilespmem:s14+$0x20];
	[tilespmem:s12+$0x10] =	vst v2  }
0x301: {  	v1 =	vld [tilespmem:s14+$0xFFFFFFC0];
	[tilespmem:s12+$0x20] =	vst v0  }
0x302: {  	s11 =	sadd.s32 $0x80, s11;
	v0 =	vld.idx.msk [tilespmem:v13+s6+$0x0], $0xffff  }
0x303: {  	v2 =	vld [tilespmem:s11+$0x30]  }
0x304: {  	v3 =	vld.idx.msk [tilespmem:v13+s1+$0x0], $0xffff  }
0x305: {  	v4 =	vld.idx.msk [tilespmem:v10+s6+$0x0], $0xffff  }
0x306: {  	v6 =	vld.idx.msk [tilespmem:v12+s6+$0x0], $0xffff  }
0x307: {  	v13 =	vld.idx.msk [tilespmem:v5+s6+$0x0], $0xffff  }
0x308: {  	v14 =	vld.idx.msk [tilespmem:v7+s6+$0x0], $0xffff;
	v0 =	vmul.f32 v2, v0  }
0x309: {  	v2 =	vld.idx.msk [tilespmem:v1+s6+$0x0], $0xffff  }
0x30a: {  	v15 =	vld.idx.msk [tilespmem:v9+s6+$0x0], $0xffff;
	v0 =	vadd.f32 v0, v3  }
0x30b: {  	s12 =	sadd.s32 $0x80, s12;
	v16 =	vld.idx.msk [tilespmem:v11+s6+$0x0], $0xffff  }
0x30c: {  	v3 =	vld [tilespmem:s11+$0xFFFFFFC0];
	[tilespmem:s12+$0x30] =	vst v0  }
0x30d: {  	v0 =	vld [tilespmem:s11+$0xFFFFFFD0]  }
0x30e: {  	v17 =	vld [tilespmem:s11+$0xFFFFFFE0]  }
0x30f: {  	v18 =	vld [tilespmem:s11+$0xFFFFFFF0]  }
0x310: {  	v19 =	vld [tilespmem:s11+$0x0]  }
0x311: {  	v20 =	vmul.f32 v3, v2;
	v2 =	vld [tilespmem:s11+$0x10]  }
0x312: {  	v8 =	vmul.f32 v0, v4;
	v0 =	vld [tilespmem:s11+$0x20]  }
0x313: {  	v21 =	vld.idx.msk [tilespmem:v1+s1+$0x0], $0xffff;
	v4 =	vmul.f32 v17, v6  }
0x314: {  	v10 =	vld.idx.msk [tilespmem:v10+s1+$0x0], $0xffff;
	v6 =	vmul.f32 v18, v13  }
.Ltmp8:
0x315: {  	v3 =	vld.idx.msk [tilespmem:v12+s1+$0x0], $0xffff;
	v1 =	vmul.f32 v19, v14;
	(pc) =	sbr.rel @p0 .LBB2_18-.Ltmp8, $4  }
0x316: {  	v5 =	vld.idx.msk [tilespmem:v5+s1+$0x0], $0xffff;
	v2 =	vmul.f32 v2, v15  }
0x317: {  	v7 =	vld.idx.msk [tilespmem:v7+s1+$0x0], $0xffff;
	v0 =	vmul.f32 v0, v16  }
0x318: {  	v9 =	vld.idx.msk [tilespmem:v9+s1+$0x0], $0xffff  }
0x319: {  	s14 =	sadd.s32 $0x80, s14;
	v12 =	vadd.f32 v20, v21;
	v11 =	vld.idx.msk [tilespmem:v11+s1+$0x0], $0xffff  }
0x31a: {  	v8 =	vadd.f32 v8, v10  }
0x31b: {  	v3 =	vadd.f32 v4, v3;
	[tilespmem:s12+$0xFFFFFFC0] =	vst v12  }
0x31c: {  	v4 =	vadd.f32 v6, v5;
	[tilespmem:s12+$0xFFFFFFD0] =	vst v8  }
0x31d: {  	[tilespmem:s12+$0xFFFFFFE0] =	vst v3;
	v1 =	vadd.f32 v1, v7  }
0x31e: {  	[tilespmem:s12+$0xFFFFFFF0] =	vst v4;
	v2 =	vadd.f32 v2, v9  }
0x31f: {  	[tilespmem:s12+$0x0] =	vst v1;
	v0 =	vadd.f32 v0, v11  }
0x320: {  	[tilespmem:s12+$0x10] =	vst v2  }
0x321: {  	[tilespmem:s12+$0x20] =	vst v0  }
0x322: {  	[hbm4b:s30+s1] =	stream.linear.scatter [tilespmem:s9], [sflag:$0x1], $0x3200, $0x38;
	[tilespmem:$0x9700] =	vst v63  }
0x323: {  	_ =	swait.ge [sflag:s5], $0x3200  }
0x324: {  	[sflag:s5] =	ssyncset.done $0x0  }
0x325: {  	[sflag:s5] =	ssyncadd.s32 $0xFFFFCE00  }
0x326: {  	[tilespmem:s7], [sflag:$0x1] =	stream.linear.gather [hbm4b:s31+s1], $0x3200, $0x38;
	[tilespmem:$0x9700] =	vst v63  }
0x327: {  	_ =	swait.ge [sflag:s5], $0x3200  }
0x328: {  	[sflag:s5] =	ssyncset.done $0x0  }
0x329: {  	[sflag:s5] =	ssyncadd.s32 $0xFFFFCE00  }
0x32a: {  	[tilespmem:s8], [sflag:$0x1] =	stream.linear.gather [hbm4b:s26+s1], $0x3200, $0x38;
	[tilespmem:$0x9700] =	vst v63  }
0x32b: {  	_ =	swait.ge [sflag:s5], $0x3200  }
0x32c: {  	[sflag:s5] =	ssyncset.done $0x0  }
0x32d: {  	s11 =	simm.s32 $0x140;
	[sflag:s5] =	ssyncadd.s32 $0xFFFFCE00  }
0x32e: {  	v0 =	vld [tilespmem:s11+$0x30]  }
0x32f: {  	v1 =	vld [tilespmem:s11+$0xFFFFFFD0]  }
0x330: {  	v2 =	vld [tilespmem:s11+$0xFFFFFFE0]  }
0x331: {  	v4 =	vld [tilespmem:s11+$0xFFFFFFF0]  }
0x332: {  	v6 =	vld [tilespmem:s11+$0x0]  }
0x333: {  	v9 =	vld [tilespmem:s11+$0x10]  }
0x334: {  	v11 =	vld [tilespmem:s11+$0x20]  }
0x335: {  	v3 =	vld [tilespmem:s11+$0xFFFFFFC0];
	s11 =	simm.s32 $0x3340  }
0x336: {  	v7 =	vld [tilespmem:s11+$0x30]  }
0x337: {  	v18 =	vld [tilespmem:s11+$0xFFFFFFC0]  }
0x338: {  	v19 =	vld [tilespmem:s11+$0xFFFFFFD0]  }
0x339: {  	v20 =	vld [tilespmem:s11+$0xFFFFFFE0]  }
0x33a: {  	v21 =	vld [tilespmem:s11+$0xFFFFFFF0]  }
0x33b: {  	v22 =	vld [tilespmem:s11+$0x0]  }
0x33c: {  	v23 =	vld [tilespmem:s11+$0x10]  }
0x33d: {  	v24 =	vld [tilespmem:s11+$0x20]  }
0x33e: {  	v5 =	vld.idx.msk [tilespmem:v0+s6+$0x0], $0xffff  }
0x33f: {  	v0 =	vld.idx.msk [tilespmem:v0+s1+$0x0], $0xffff  }
0x340: {  	v8 =	vld.idx.msk [tilespmem:v1+s6+$0x0], $0xffff  }
0x341: {  	v12 =	vld.idx.msk [tilespmem:v2+s6+$0x0], $0xffff  }
0x342: {  	v13 =	vld.idx.msk [tilespmem:v4+s6+$0x0], $0xffff  }
0x343: {  	v14 =	vld.idx.msk [tilespmem:v6+s6+$0x0], $0xffff  }
0x344: {  	v15 =	vld.idx.msk [tilespmem:v3+s6+$0x0], $0xffff  }
0x345: {  	v16 =	vld.idx.msk [tilespmem:v9+s6+$0x0], $0xffff  }
0x346: {  	v17 =	vld.idx.msk [tilespmem:v11+s6+$0x0], $0xffff  }
0x347: {  	v25 =	vld.idx.msk [tilespmem:v3+s1+$0x0], $0xffff  }
0x348: {  	v10 =	vld.idx.msk [tilespmem:v1+s1+$0x0], $0xffff  }
0x349: {  	v3 =	vld.idx.msk [tilespmem:v2+s1+$0x0], $0xffff  }
0x34a: {  	v9 =	vld.idx.msk [tilespmem:v9+s1+$0x0], $0xffff;
	v5 =	vmul.f32 v7, v5  }
0x34b: {  	v15 =	vmul.f32 v18, v15;
	v7 =	vld.idx.msk [tilespmem:v6+s1+$0x0], $0xffff  }
0x34c: {  	v8 =	vmul.f32 v19, v8;
	v6 =	vmul.f32 v21, v13;
	v0 =	vadd.f32 v5, v0;
	v5 =	vld.idx.msk [tilespmem:v4+s1+$0x0], $0xffff  }
0x34d: {  	s12 =	simm.s32 $0x6540;
	v11 =	vld.idx.msk [tilespmem:v11+s1+$0x0], $0xffff;
	v1 =	vmul.f32 v22, v14;
	v2 =	vmul.f32 v23, v16  }
0x34e: {  	s13 =	simm.s32 $0x0;
	s14 =	simm.s32 $0x1C0;
	v4 =	vmul.f32 v20, v12;
	v12 =	vadd.f32 v15, v25;
	[tilespmem:s12+$0x30] =	vst v0;
	v0 =	vmul.f32 v24, v17  }
.LBB2_20:
0x34f: {  	v13 =	vld [tilespmem:s14+$0x30];
	s13 =	sadd.s32 $0x80, s13;
	v8 =	vadd.f32 v8, v10  }
0x350: {  	v3 =	vadd.f32 v4, v3;
	v10 =	vld [tilespmem:s14+$0xFFFFFFD0];
	p0 =	slt.u32 s13, $0x3180;
	[tilespmem:s12+$0xFFFFFFC0] =	vst v12  }
0x351: {  	v4 =	vadd.f32 v6, v5;
	v12 =	vld [tilespmem:s14+$0xFFFFFFE0];
	[tilespmem:s12+$0xFFFFFFD0] =	vst v8  }
0x352: {  	v1 =	vadd.f32 v1, v7;
	v5 =	vld [tilespmem:s14+$0xFFFFFFF0];
	[tilespmem:s12+$0xFFFFFFE0] =	vst v3  }
0x353: {  	v2 =	vadd.f32 v2, v9;
	v7 =	vld [tilespmem:s14+$0x0];
	[tilespmem:s12+$0xFFFFFFF0] =	vst v4  }
0x354: {  	v0 =	vadd.f32 v0, v11;
	v9 =	vld [tilespmem:s14+$0x10];
	[tilespmem:s12+$0x0] =	vst v1  }
0x355: {  	v11 =	vld [tilespmem:s14+$0x20];
	[tilespmem:s12+$0x10] =	vst v2  }
0x356: {  	v1 =	vld [tilespmem:s14+$0xFFFFFFC0];
	[tilespmem:s12+$0x20] =	vst v0  }
0x357: {  	s11 =	sadd.s32 $0x80, s11;
	v0 =	vld.idx.msk [tilespmem:v13+s6+$0x0], $0xffff  }
0x358: {  	v2 =	vld [tilespmem:s11+$0x30]  }
0x359: {  	v3 =	vld.idx.msk [tilespmem:v13+s1+$0x0], $0xffff  }
0x35a: {  	v4 =	vld.idx.msk [tilespmem:v10+s6+$0x0], $0xffff  }
0x35b: {  	v6 =	vld.idx.msk [tilespmem:v12+s6+$0x0], $0xffff  }
0x35c: {  	v13 =	vld.idx.msk [tilespmem:v5+s6+$0x0], $0xffff  }
0x35d: {  	v14 =	vld.idx.msk [tilespmem:v7+s6+$0x0], $0xffff;
	v0 =	vmul.f32 v2, v0  }
0x35e: {  	v2 =	vld.idx.msk [tilespmem:v1+s6+$0x0], $0xffff  }
0x35f: {  	v15 =	vld.idx.msk [tilespmem:v9+s6+$0x0], $0xffff;
	v0 =	vadd.f32 v0, v3  }
0x360: {  	s12 =	sadd.s32 $0x80, s12;
	v16 =	vld.idx.msk [tilespmem:v11+s6+$0x0], $0xffff  }
0x361: {  	v3 =	vld [tilespmem:s11+$0xFFFFFFC0];
	[tilespmem:s12+$0x30] =	vst v0  }
0x362: {  	v0 =	vld [tilespmem:s11+$0xFFFFFFD0]  }
0x363: {  	v17 =	vld [tilespmem:s11+$0xFFFFFFE0]  }
0x364: {  	v18 =	vld [tilespmem:s11+$0xFFFFFFF0]  }
0x365: {  	v19 =	vld [tilespmem:s11+$0x0]  }
0x366: {  	v20 =	vmul.f32 v3, v2;
	v2 =	vld [tilespmem:s11+$0x10]  }
0x367: {  	v8 =	vmul.f32 v0, v4;
	v0 =	vld [tilespmem:s11+$0x20]  }
0x368: {  	v21 =	vld.idx.msk [tilespmem:v1+s1+$0x0], $0xffff;
	v4 =	vmul.f32 v17, v6  }
0x369: {  	v10 =	vld.idx.msk [tilespmem:v10+s1+$0x0], $0xffff;
	v6 =	vmul.f32 v18, v13  }
.Ltmp9:
0x36a: {  	v3 =	vld.idx.msk [tilespmem:v12+s1+$0x0], $0xffff;
	v1 =	vmul.f32 v19, v14;
	(pc) =	sbr.rel @p0 .LBB2_20-.Ltmp9, $4  }
0x36b: {  	v5 =	vld.idx.msk [tilespmem:v5+s1+$0x0], $0xffff;
	v2 =	vmul.f32 v2, v15  }
0x36c: {  	v7 =	vld.idx.msk [tilespmem:v7+s1+$0x0], $0xffff;
	v0 =	vmul.f32 v0, v16  }
0x36d: {  	v9 =	vld.idx.msk [tilespmem:v9+s1+$0x0], $0xffff  }
0x36e: {  	s14 =	sadd.s32 $0x80, s14;
	v12 =	vadd.f32 v20, v21;
	v11 =	vld.idx.msk [tilespmem:v11+s1+$0x0], $0xffff  }
0x36f: {  	v8 =	vadd.f32 v8, v10  }
0x370: {  	v3 =	vadd.f32 v4, v3;
	[tilespmem:s12+$0xFFFFFFC0] =	vst v12  }
0x371: {  	v63 =	vadd.f32 v6, v5;
	[tilespmem:s12+$0xFFFFFFD0] =	vst v8  }
0x372: {  	[tilespmem:s12+$0xFFFFFFE0] =	vst v3;
	v1 =	vadd.f32 v1, v7  }
0x373: {  	[tilespmem:s12+$0xFFFFFFF0] =	vst v63;
	v2 =	vadd.f32 v2, v9  }
0x374: {  	s10 =	sadd.s32 $0x1, s10;
	[tilespmem:s12+$0x0] =	vst v1;
	v0 =	vadd.f32 v0, v11  }
0x375: {  	p0 =	sne.s32 s10, s4;
	[tilespmem:s12+$0x10] =	vst v2  }
.Ltmp10:
0x376: {  	[tilespmem:s12+$0x20] =	vst v0;
	(pc) =	sbr.rel @p0 .LBB2_1-.Ltmp10, $4  }
0x377: {  	[hbm4b:s0+s1] =	stream.linear.scatter [tilespmem:s9], [sflag:$0x1], $0x3200, $0x38;
	[tilespmem:$0x9700] =	vst v63  }
0x378: {  	_ =	swait.ge [sflag:s5], $0x3200  }
0x379: {  	[sflag:s5] =	ssyncset.done $0x0  }
0x37a: {  	[sflag:s5] =	ssyncadd.s32 $0xFFFFCE00  }
0x37b: {  	_ =	sfence.sel $0x180000  }
0x37c: {  	[bflag:$0x0] =	sbarrier.arrive $0xFFFF  }
0x37d: {  	_ =	strace $0x90000047  }
0x37e: {  	s0 =	stileid.u32;
	[bflag:$0x2] =	sbarrier.arrive $0xFFFF  }
0x37f: {  	p0 =	sne.s32 s0, $0x0;
	s0 =	rddreg [dreg:$0x2]  }
0x380: {  	s0 =	sadd.s32 @!p0 $0x100000, s0  }
0x381: {  	[sflag:s0] =	ssyncadd.tile.s32 @!p0 $0x1;
	_ =	shalt  }
.Lfunc_end2:
_tile_overlayer_lowered:
.L_overlay_start_2:
0x382: {  	(tag) =	ssettag $0x2  }
0x383: {  	s0 =	rddreg [dreg:$0x0];
	s2 =	stileid.u32  }
0x384: {  	s1 =	rddreg [dreg:$0x1];
	p0 =	sne.s32 s2, $0x0  }
0x385: {  	s3 =	rddreg [dreg:$0x2];
	[bflag:$0x3] =	sbarrier.arrive $0xFFFF;
	s2 =	simm.s32 @!p0 $0x1C01  }
0x386: {  	[timem:s3], [sflag:s2] =	dma.local @!p0 [hbm:s0], s1  }
0x387: {  	s0 =	simm.s32 @!p0 $0x1  }
0x388: {  	_ =	swait.ge @!p0 [sflag:s0], s1  }
0x389: {  	s1 =	ssub.s32 @!p0 $0x0, s1;
	[sflag:s0] =	ssyncset.done @!p0 $0x0  }
0x38a: {  	[sflag:s0] =	ssyncadd.s32 @!p0 s1  }
0x38b: {  	[bflag:$0x3] =	sbarrier.arrive $0xFFFF  }
0x38c: {  	_ =	shalt  }

</sc_bundles>
